<compile_context>
chip_gen: v7x
topology: tpu7x:2x2x1
jax: 0.10.2.dev20260603
libtpu: 0.0.44.dev20260713+nightly
codegen_flags: <defaults>
</compile_context>

<pallas_src>
import functools

import jax
import jax.numpy as jnp
from jax import lax
from jax.experimental import pallas as pl
from jax.experimental.pallas import tpu as pltpu
from jax.experimental.pallas import tpu_sc as plsc

N = 2048
D = 768
E = 16
F = 2048
T = 256
NT = 24
NPAD = NT * T
LBW = 0.01

NC, NS = 2, 16
NW = NC * NS
CHUNK = N // NW
WCOL = 128


def _gelu(h):
    return 0.5 * h * (1.0 + lax.erf(h / jnp.sqrt(2.0).astype(h.dtype)))


def _router_body(x_ref, wr_ref, pos_ref, wrep_ref, sched_ref, aux_ref):
    xf = x_ref[...]
    wr = wr_ref[...]
    logits = lax.dot_general(
        xf, wr, (((1,), (1,)), ((), ())),
        preferred_element_type=jnp.float32)
    m = jnp.max(logits, axis=1, keepdims=True)
    ex = jnp.exp(logits - m)
    probs = ex / jnp.sum(ex, axis=1, keepdims=True)
    pmax = jnp.max(probs, axis=1, keepdims=True)
    lane = lax.broadcasted_iota(jnp.int32, (N, E), 1)
    idx = jnp.min(jnp.where(probs == pmax, lane, E), axis=1, keepdims=True)
    onehot = (lane == idx).astype(jnp.float32)
    NB = N // 128
    br = lax.broadcasted_iota(jnp.int32, (128, 128), 0)
    bc = lax.broadcasted_iota(jnp.int32, (128, 128), 1)
    tri128 = (br >= bc).astype(jnp.float32)
    rblocks = []
    sblocks = []
    for b in range(NB):
        seg = onehot[b * 128:(b + 1) * 128]
        rblocks.append(lax.dot_general(
            tri128, seg, (((1,), (0,)), ((), ())),
            preferred_element_type=jnp.float32))
        sblocks.append(jnp.sum(seg, axis=0, keepdims=True))
    smat = jnp.concatenate(sblocks, axis=0)
    sr = lax.broadcasted_iota(jnp.int32, (NB, NB), 0)
    sc = lax.broadcasted_iota(jnp.int32, (NB, NB), 1)
    stri = (sc < sr).astype(jnp.float32)
    offs = lax.dot_general(stri, smat, (((1,), (0,)), ((), ())),
                           preferred_element_type=jnp.float32)
    ranks = jnp.concatenate(
        [rblocks[b] + offs[b:b + 1] for b in range(NB)], axis=0)
    counts = jnp.sum(onehot, axis=0, keepdims=True)
    tiles = jnp.ceil(counts / T)
    er = lax.broadcasted_iota(jnp.int32, (E, E), 0)
    ec = lax.broadcasted_iota(jnp.int32, (E, E), 1)
    strict = (er < ec).astype(jnp.float32)
    to_excl = lax.dot_general(
        tiles, strict, (((1,), (0,)), ((), ())),
        preferred_element_type=jnp.float32,
        precision=lax.Precision.HIGHEST)
    row_off = to_excl * T
    pos_f = jnp.sum(onehot * (row_off + ranks - 1.0), axis=1, keepdims=True)
    pcols = jnp.concatenate(
        [pos_f[b * 128:(b + 1) * 128] for b in range(N // 128)], axis=1)
    i128 = (br == bc).astype(jnp.float32)
    pos_t = lax.dot_general(pcols, i128, (((0,), (0,)), ((), ())),
                            preferred_element_type=jnp.float32,
                            precision=lax.Precision.HIGHEST)
    pos_ref[...] = pos_t.astype(jnp.int32)
    wrep_ref[...] = jnp.broadcast_to(pmax, (N, WCOL))
    ends = to_excl + tiles
    tgrid = lax.broadcasted_iota(jnp.int32, (NT, E), 0).astype(jnp.float32)
    raw = jnp.sum((tgrid >= ends).astype(jnp.float32), axis=1, keepdims=True)
    total = jnp.sum(tiles)
    tcol = lax.broadcasted_iota(jnp.int32, (NT, 1), 0).astype(jnp.float32)
    e_last = jnp.sum(jnp.where(tcol == total - 1.0, raw, 0.0))
    eids_col = jnp.minimum(raw, e_last)
    valid_col = (tcol < total).astype(jnp.float32)
    gidx_col = jnp.minimum(tcol, total - 1.0)
    mcols = jnp.concatenate([eids_col, valid_col, gidx_col], axis=1)
    rnt = lax.broadcasted_iota(jnp.int32, (NT, NT), 0)
    cnt = lax.broadcasted_iota(jnp.int32, (NT, NT), 1)
    int_ = (rnt == cnt).astype(jnp.float32)
    sched_t = lax.dot_general(mcols, int_, (((0,), (0,)), ((), ())),
                              preferred_element_type=jnp.float32,
                              precision=lax.Precision.HIGHEST)
    sched_ref[...] = sched_t.astype(jnp.int32)
    mean_probs = jnp.mean(probs, axis=0, keepdims=True)
    freq = counts / float(N)
    aux_ref[...] = LBW * E * jnp.sum(mean_probs * freq, axis=1, keepdims=True)


def _router(xf, wr):
    return pl.pallas_call(
        _router_body,
        out_shape=(
            jax.ShapeDtypeStruct((N // 128, 128), jnp.int32),
            jax.ShapeDtypeStruct((N, WCOL), jnp.float32),
            jax.ShapeDtypeStruct((3, NT), jnp.int32),
            jax.ShapeDtypeStruct((1, 1), jnp.float32),
        ),
    )(xf, wr)


def _ffn_body(sched_ref, x_ref, w1_ref, b1_ref, w2_ref, b2_ref,
              wts_ref, y_ref):
    s = pl.program_id(0)

    @pl.when(sched_ref[1, s] != 0)
    def _():
        e = sched_ref[0, s]
        xb = x_ref[...]
        h = lax.dot_general(xb, w1_ref[0], (((1,), (1,)), ((), ())),
                            preferred_element_type=jnp.float32)
        h = _gelu(h + b1_ref[pl.ds(e, 1), :])
        y = lax.dot_general(h, w2_ref[0], (((1,), (1,)), ((), ())),
                            preferred_element_type=jnp.float32)
        y = (y + b2_ref[pl.ds(e, 1), :]) * wts_ref[...][:, 0:1]
        y_ref[...] = y


def _ffn(sched, xpad, w1, b1r, w2, b2r, wpad):
    grid_spec = pltpu.PrefetchScalarGridSpec(
        num_scalar_prefetch=1,
        grid=(NT,),
        in_specs=[
            pl.BlockSpec((T, D), lambda s, g: (g[2, s], 0)),
            pl.BlockSpec((1, F, D), lambda s, g: (g[0, s], 0, 0)),
            pl.BlockSpec((E, F), lambda s, g: (0, 0)),
            pl.BlockSpec((1, D, F), lambda s, g: (g[0, s], 0, 0)),
            pl.BlockSpec((E, D), lambda s, g: (0, 0)),
            pl.BlockSpec((T, WCOL), lambda s, g: (g[2, s], 0)),
        ],
        out_specs=pl.BlockSpec((T, D), lambda s, g: (g[2, s], 0)),
    )
    return pl.pallas_call(
        _ffn_body,
        grid_spec=grid_spec,
        out_shape=jax.ShapeDtypeStruct((NPAD, D), jnp.float32),
        compiler_params=pltpu.CompilerParams(
            dimension_semantics=("arbitrary",)),
    )(sched, xpad, w1, b1r, w2, b2r, wpad)


@functools.cache
def _make_dispatch():
    @functools.partial(
        pl.kernel,
        out_type=(
            jax.ShapeDtypeStruct((NPAD, D), jnp.float32),
            jax.ShapeDtypeStruct((NPAD, WCOL), jnp.float32),
        ),
        mesh=plsc.VectorSubcoreMesh(core_axis_name="c", subcore_axis_name="s"),
        scratch_types=[
            pltpu.VMEM((CHUNK // 2,), jnp.int32),
            pltpu.VMEM((CHUNK // 2,), jnp.int32),
            pltpu.VMEM((CHUNK // 2, D), jnp.float32),
            pltpu.VMEM((CHUNK // 2, D), jnp.float32),
            pltpu.VMEM((CHUNK, WCOL), jnp.float32),
            pltpu.SemaphoreType.DMA,
            pltpu.SemaphoreType.DMA,
            pltpu.SemaphoreType.DMA,
            pltpu.SemaphoreType.DMA,
            pltpu.SemaphoreType.DMA,
            pltpu.SemaphoreType.DMA,
        ],
    )
    def dispatch(x_hbm, wrep_hbm, pos_hbm, xpad_hbm, wpad_hbm,
                 idx_a, idx_b, xa_v, xb_v, wrow_v,
                 sia, sib, siw, soa, sob, sow):
        wid = lax.axis_index("s") * NC + lax.axis_index("c")
        half = CHUNK // 2
        base = pl.multiple_of(wid * CHUNK, 8)
        prow = wid // 2
        pcol = pl.multiple_of((wid % 2) * CHUNK, 8)
        pltpu.sync_copy(pos_hbm.at[prow, pl.ds(pcol, half)], idx_a)
        pltpu.sync_copy(pos_hbm.at[prow, pl.ds(pcol + half, half)], idx_b)
        ina = pltpu.async_copy(x_hbm.at[pl.ds(base, half)], xa_v, sia)
        inb = pltpu.async_copy(x_hbm.at[pl.ds(base + half, half)], xb_v, sib)
        inw = pltpu.async_copy(wrep_hbm.at[pl.ds(base, CHUNK)], wrow_v, siw)
        ina.wait()
        outa = pltpu.async_copy(xa_v, xpad_hbm.at[idx_a], soa)
        inb.wait()
        outb = pltpu.async_copy(xb_v, xpad_hbm.at[idx_b], sob)
        inw.wait()
        outwa = pltpu.async_copy(wrow_v.at[pl.ds(0, half)],
                                 wpad_hbm.at[idx_a], sow)
        outa.wait()
        outwb = pltpu.async_copy(wrow_v.at[pl.ds(half, half)],
                                 wpad_hbm.at[idx_b], soa)
        outb.wait()
        outwa.wait()
        outwb.wait()

    return dispatch


@functools.cache
def _make_combine():
    @functools.partial(
        pl.kernel,
        out_type=jax.ShapeDtypeStruct((N, D), jnp.float32),
        mesh=plsc.VectorSubcoreMesh(core_axis_name="c", subcore_axis_name="s"),
        scratch_types=[
            pltpu.VMEM((CHUNK // 2,), jnp.int32),
            pltpu.VMEM((CHUNK // 2,), jnp.int32),
            pltpu.VMEM((CHUNK // 2, D), jnp.float32),
            pltpu.VMEM((CHUNK // 2, D), jnp.float32),
            pltpu.SemaphoreType.DMA,
            pltpu.SemaphoreType.DMA,
            pltpu.SemaphoreType.DMA,
            pltpu.SemaphoreType.DMA,
        ],
    )
    def combine(ypad_hbm, pos_hbm, out_hbm, idx_a, idx_b, ra_v, rb_v,
                sga, sgb, ssa, ssb):
        wid = lax.axis_index("s") * NC + lax.axis_index("c")
        half = CHUNK // 2
        base = pl.multiple_of(wid * CHUNK, 8)
        prow = wid // 2
        pcol = pl.multiple_of((wid % 2) * CHUNK, 8)
        pltpu.sync_copy(pos_hbm.at[prow, pl.ds(pcol, half)], idx_a)
        pltpu.sync_copy(pos_hbm.at[prow, pl.ds(pcol + half, half)], idx_b)
        ga = pltpu.async_copy(ypad_hbm.at[idx_a], ra_v, sga)
        gb = pltpu.async_copy(ypad_hbm.at[idx_b], rb_v, sgb)
        ga.wait()
        oa = pltpu.async_copy(ra_v, out_hbm.at[pl.ds(base, half)], ssa)
        gb.wait()
        ob = pltpu.async_copy(rb_v, out_hbm.at[pl.ds(base + half, half)], ssb)
        oa.wait()
        ob.wait()

    return combine


def kernel(x, Wr, W1, b1, W2, b2):
    xf = x.reshape(N, D)
    pos_t, wrep, sched, aux = _router(xf, Wr)
    xpad, wpad = _make_dispatch()(xf, wrep, pos_t)
    ypad = _ffn(sched, xpad, W1, b1, W2, b2, wpad)
    outf = _make_combine()(ypad, pos_t)
    return outf.reshape(x.shape), aux[0, 0]

# --- scband reference (transcript-rebuilt; emitter-appended) ---
"""Pipeline reference for scband-mo-elayer-39419209842955 (READ-ONLY COPY).

The authoritative reference and input builder live on the scoring server;
editing this copy changes nothing except your own understanding.
"""

import jax, jax.numpy as jnp
import numpy as np

B, S, D = 1, 2048, 768
E, FFN, TOPK = 16, 2048, 1
LBW = 0.01

def _gelu(x):
    # exact erf gelu to match torch F.gelu default
    return 0.5 * x * (1.0 + jax.lax.erf(x / jnp.sqrt(2.0).astype(x.dtype)))

def setup_inputs(seed: int = 0) -> dict:
    key = jax.random.key(seed)
    ks = jax.random.split(key, 6)
    x = jax.random.normal(ks[0], (B, S, D), dtype=jnp.float32)
    s1 = 1.0 / np.sqrt(D)
    s2 = 1.0 / np.sqrt(FFN)
    Wr = jax.random.uniform(ks[1], (E, D), jnp.float32, -s1, s1)
    W1 = jax.random.uniform(ks[2], (E, FFN, D), jnp.float32, -s1, s1)
    b1 = jax.random.uniform(ks[3], (E, FFN), jnp.float32, -s1, s1)
    W2 = jax.random.uniform(ks[4], (E, D, FFN), jnp.float32, -s2, s2)
    b2 = jax.random.uniform(ks[5], (E, D), jnp.float32, -s2, s2)
    return {"x": x, "Wr": Wr, "W1": W1, "b1": b1, "W2": W2, "b2": b2}

def reference(x, Wr, W1, b1, W2, b2):
    b, s, d = x.shape
    x_flat = x.reshape(-1, d)
    n = x_flat.shape[0]
    router_logits = x_flat @ Wr.T                      # [N, E]
    router_probs = jax.nn.softmax(router_logits, axis=-1)
    # top_k == 1 path: max prob / argmax expert
    expert_weights = jnp.max(router_probs, axis=-1)[:, None]   # [N, 1]
    expert_indices = jnp.argmax(router_probs, axis=-1)[:, None]  # [N, 1]
    out_flat = jnp.zeros_like(x_flat)
    for e in range(E):
        # per-token combine weight for this expert (zero if not routed here)
        w = jnp.where(expert_indices[:, 0] == e, expert_weights[:, 0], 0.0)  # [N]
        h = _gelu(x_flat @ W1[e].T + b1[e])            # dropout is identity (p=0 / eval)
        yo = h @ W2[e].T + b2[e]
        out_flat = out_flat + yo * w[:, None]
    output = out_flat.reshape(b, s, d)
    # load-balance aux loss
    mean_router_probs = router_probs.mean(axis=0)
    idx_flat = expert_indices.reshape(-1)
    counts = jnp.bincount(idx_flat, minlength=E, length=E).astype(jnp.float32)
    freq = counts / (n * TOPK)
    aux_loss = LBW * (E * jnp.sum(mean_router_probs * freq))
    return (output, aux_loss)

if __name__ == "__main__":
    import jax
    _d = setup_inputs()
    print(jax.jit(kernel)(*tuple(_d.values())))

</pallas_src>

<mosaic_0001>
#map = affine_map<(d0, d1) -> (0, 0)>
module attributes {stable_mosaic.version = 14 : i64} {
  func.func @combine(%arg0: i32, %arg1: i32, %arg2: memref<6144x768xf32, #tpu.memory_space<hbm>>, %arg3: memref<16x128xi32, #tpu.memory_space<hbm>>, %arg4: memref<2048x768xf32, #tpu.memory_space<hbm>>, %arg5: memref<32xi32, #tpu.memory_space<vmem>>, %arg6: memref<32xi32, #tpu.memory_space<vmem>>, %arg7: memref<32x768xf32, #tpu.memory_space<vmem>>, %arg8: memref<32x768xf32, #tpu.memory_space<vmem>>, %arg9: memref<!tpu.dma_semaphore, #tpu.memory_space<semaphore_mem>>, %arg10: memref<!tpu.dma_semaphore, #tpu.memory_space<semaphore_mem>>, %arg11: memref<!tpu.dma_semaphore, #tpu.memory_space<semaphore_mem>>, %arg12: memref<!tpu.dma_semaphore, #tpu.memory_space<semaphore_mem>>) attributes {dimension_semantics = [#tpu.dimension_semantics<core_parallel>, #tpu.dimension_semantics<subcore_parallel>], iteration_bounds = array<i64: 2, 16>, scalar_prefetch = 0 : i64, scratch_operands = 8 : i64, tpu.core_type = #tpu.core_type<sc_vector_subcore>, window_params = [{transform_indices = #map}, {transform_indices = #map}, {transform_indices = #map}]} {
    %mul3A = arith.constant 2 : i32
    %mul3A_0 = arith.muli %arg1, %mul3A : i32
    %add3A = arith.addi %mul3A_0, %arg0 : i32
    %mul3A_1 = arith.constant 64 : i32
    %mul3A_2 = arith.muli %add3A, %mul3A_1 : i32
    %multiple_of3A = tpu.assume_multiple %mul3A_2, 8 : i32
    %jit3A = arith.constant 2 : i32
    %div3A = arith.divsi %add3A, %jit3A : i32
    %sign3A = arith.constant 0 : i32
    %sign3A_3 = arith.cmpi sgt, %add3A, %sign3A : i32
    %sign3A_4 = arith.extui %sign3A_3 : i1 to i32
    %sign3A_5 = arith.constant 0 : i32
    %sign3A_6 = arith.cmpi slt, %add3A, %sign3A_5 : i32
    %sign3A_7 = arith.extui %sign3A_6 : i1 to i32
    %sign3A_8 = arith.subi %sign3A_4, %sign3A_7 : i32
    %sign3A_9 = arith.constant 0 : i32
    %sign3A_10 = arith.cmpi sgt, %jit3A, %sign3A_9 : i32
    %sign3A_11 = arith.extui %sign3A_10 : i1 to i32
    %sign3A_12 = arith.constant 0 : i32
    %sign3A_13 = arith.cmpi slt, %jit3A, %sign3A_12 : i32
    %sign3A_14 = arith.extui %sign3A_13 : i1 to i32
    %sign3A_15 = arith.subi %sign3A_11, %sign3A_14 : i32
    %ne3A = arith.cmpi ne, %sign3A_8, %sign3A_15 : i32
    %rem3A = arith.remsi %add3A, %jit3A : i32
    %ne3A_16 = arith.constant 0 : i32
    %ne3A_17 = arith.cmpi ne, %rem3A, %ne3A_16 : i32
    %and3A = arith.andi %ne3A, %ne3A_17 : i1
    %sub3A = arith.constant 1 : i32
    %sub3A_18 = arith.subi %div3A, %sub3A : i32
    %select_n3A = arith.select %and3A, %sub3A_18, %div3A : i32
    %jit3A_19 = arith.constant 2 : i32
    %eq3A = arith.constant 0 : i32
    %eq3A_20 = arith.cmpi eq, %jit3A_19, %eq3A : i32
    %jit3A_21 = arith.constant 1 : i32
    %select_n3A_22 = arith.select %eq3A_20, %jit3A_21, %jit3A_19 : i32
    %rem3A_23 = arith.remsi %add3A, %select_n3A_22 : i32
    %ne3A_24 = arith.constant 0 : i32
    %ne3A_25 = arith.cmpi ne, %rem3A_23, %ne3A_24 : i32
    %lt3A = arith.constant 0 : i32
    %lt3A_26 = arith.cmpi slt, %rem3A_23, %lt3A : i32
    %lt3A_27 = arith.constant 0 : i32
    %lt3A_28 = arith.cmpi slt, %select_n3A_22, %lt3A_27 : i32
    %ne3A_29 = arith.xori %lt3A_26, %lt3A_28 : i1
    %and3A_30 = arith.andi %ne3A_29, %ne3A_25 : i1
    %add3A_31 = arith.addi %rem3A_23, %select_n3A_22 : i32
    %select_n3A_32 = arith.select %and3A_30, %add3A_31, %rem3A_23 : i32
    %mul3A_33 = arith.constant 64 : i32
    %mul3A_34 = arith.muli %select_n3A_32, %mul3A_33 : i32
    %multiple_of3A_35 = tpu.assume_multiple %mul3A_34, 8 : i32
    "tpu.region"() ({
      %run_scoped3A = tpu.sem_alloc : memref<!tpu.dma_semaphore, #tpu.memory_space<semaphore_mem>>
      %dma_start3A_66 = tpu.memref_slice %arg3[%select_n3A, %multiple_of3A_35] : memref<16x128xi32, #tpu.memory_space<hbm>> -> memref<1x32xi32, #tpu.memory_space<hbm>>
      %dma_start3A_67 = tpu.memref_squeeze %dma_start3A_66 : memref<1x32xi32, #tpu.memory_space<hbm>> -> memref<32xi32, #tpu.memory_space<hbm>>
      %dma_start3A_68 = tpu.memref_slice %arg3[%select_n3A, %multiple_of3A_35] : memref<16x128xi32, #tpu.memory_space<hbm>> -> memref<1x32xi32, #tpu.memory_space<hbm>>
      %dma_start3A_69 = tpu.memref_squeeze %dma_start3A_68 : memref<1x32xi32, #tpu.memory_space<hbm>> -> memref<32xi32, #tpu.memory_space<hbm>>
      tpu.enqueue_dma source(%dma_start3A_69 : memref<32xi32, #tpu.memory_space<hbm>>) target(%arg5 : memref<32xi32, #tpu.memory_space<vmem>>) target_semaphore(%run_scoped3A : memref<!tpu.dma_semaphore, #tpu.memory_space<semaphore_mem>>)
      %dma_wait3A_70 = tpu.memref_slice %arg3[%select_n3A, %multiple_of3A_35] : memref<16x128xi32, #tpu.memory_space<hbm>> -> memref<1x32xi32, #tpu.memory_space<hbm>>
      %dma_wait3A_71 = tpu.memref_squeeze %dma_wait3A_70 : memref<1x32xi32, #tpu.memory_space<hbm>> -> memref<32xi32, #tpu.memory_space<hbm>>
      %dma_wait3A_72 = tpu.memref_slice %arg3[%select_n3A, %multiple_of3A_35] : memref<16x128xi32, #tpu.memory_space<hbm>> -> memref<1x32xi32, #tpu.memory_space<hbm>>
      %dma_wait3A_73 = tpu.memref_squeeze %dma_wait3A_72 : memref<1x32xi32, #tpu.memory_space<hbm>> -> memref<32xi32, #tpu.memory_space<hbm>>
      tpu.wait_dma2 semaphore(%run_scoped3A : memref<!tpu.dma_semaphore, #tpu.memory_space<semaphore_mem>>) src(%dma_wait3A_73 : memref<32xi32, #tpu.memory_space<hbm>>) dst(%arg5 : memref<32xi32, #tpu.memory_space<vmem>>)
      tpu.yield
    }) : () -> ()
    %add3A_36 = arith.constant 32 : i32
    %add3A_37 = arith.addi %multiple_of3A_35, %add3A_36 : i32
    "tpu.region"() ({
      %run_scoped3A = tpu.sem_alloc : memref<!tpu.dma_semaphore, #tpu.memory_space<semaphore_mem>>
      %dma_start3A_66 = tpu.memref_slice %arg3[%select_n3A, %add3A_37] : memref<16x128xi32, #tpu.memory_space<hbm>> -> memref<1x32xi32, #tpu.memory_space<hbm>>
      %dma_start3A_67 = tpu.memref_squeeze %dma_start3A_66 : memref<1x32xi32, #tpu.memory_space<hbm>> -> memref<32xi32, #tpu.memory_space<hbm>>
      %dma_start3A_68 = tpu.memref_slice %arg3[%select_n3A, %add3A_37] : memref<16x128xi32, #tpu.memory_space<hbm>> -> memref<1x32xi32, #tpu.memory_space<hbm>>
      %dma_start3A_69 = tpu.memref_squeeze %dma_start3A_68 : memref<1x32xi32, #tpu.memory_space<hbm>> -> memref<32xi32, #tpu.memory_space<hbm>>
      tpu.enqueue_dma source(%dma_start3A_69 : memref<32xi32, #tpu.memory_space<hbm>>) target(%arg6 : memref<32xi32, #tpu.memory_space<vmem>>) target_semaphore(%run_scoped3A : memref<!tpu.dma_semaphore, #tpu.memory_space<semaphore_mem>>)
      %dma_wait3A_70 = tpu.memref_slice %arg3[%select_n3A, %add3A_37] : memref<16x128xi32, #tpu.memory_space<hbm>> -> memref<1x32xi32, #tpu.memory_space<hbm>>
      %dma_wait3A_71 = tpu.memref_squeeze %dma_wait3A_70 : memref<1x32xi32, #tpu.memory_space<hbm>> -> memref<32xi32, #tpu.memory_space<hbm>>
      %dma_wait3A_72 = tpu.memref_slice %arg3[%select_n3A, %add3A_37] : memref<16x128xi32, #tpu.memory_space<hbm>> -> memref<1x32xi32, #tpu.memory_space<hbm>>
      %dma_wait3A_73 = tpu.memref_squeeze %dma_wait3A_72 : memref<1x32xi32, #tpu.memory_space<hbm>> -> memref<32xi32, #tpu.memory_space<hbm>>
      tpu.wait_dma2 semaphore(%run_scoped3A : memref<!tpu.dma_semaphore, #tpu.memory_space<semaphore_mem>>) src(%dma_wait3A_73 : memref<32xi32, #tpu.memory_space<hbm>>) dst(%arg6 : memref<32xi32, #tpu.memory_space<vmem>>)
      tpu.yield
    }) : () -> ()
    %dma_start3A = arith.constant 0 : i32
    %dma_start3A_38 = arith.constant 0 : i32
    %dma_start3A_39 = tpu.memref_slice %arg2[%dma_start3A, %dma_start3A_38] : memref<6144x768xf32, #tpu.memory_space<hbm>> -> memref<6144x768xf32, #tpu.memory_space<hbm>>
    tpu.enqueue_indirect_dma source(%dma_start3A_39 : memref<6144x768xf32, #tpu.memory_space<hbm>>) target(%arg7 : memref<32x768xf32, #tpu.memory_space<vmem>>) offsets(%arg5 : memref<32xi32, #tpu.memory_space<vmem>>) semaphore(%arg9 : memref<!tpu.dma_semaphore, #tpu.memory_space<semaphore_mem>>)
    %dma_start3A_40 = arith.constant 0 : i32
    %dma_start3A_41 = arith.constant 0 : i32
    %dma_start3A_42 = tpu.memref_slice %arg2[%dma_start3A_40, %dma_start3A_41] : memref<6144x768xf32, #tpu.memory_space<hbm>> -> memref<6144x768xf32, #tpu.memory_space<hbm>>
    tpu.enqueue_indirect_dma source(%dma_start3A_42 : memref<6144x768xf32, #tpu.memory_space<hbm>>) target(%arg8 : memref<32x768xf32, #tpu.memory_space<vmem>>) offsets(%arg6 : memref<32xi32, #tpu.memory_space<vmem>>) semaphore(%arg10 : memref<!tpu.dma_semaphore, #tpu.memory_space<semaphore_mem>>)
    %dma_wait3A = arith.constant 0 : i32
    %dma_wait3A_43 = arith.constant 0 : i32
    %dma_wait3A_44 = tpu.memref_slice %arg2[%dma_wait3A, %dma_wait3A_43] : memref<6144x768xf32, #tpu.memory_space<hbm>> -> memref<6144x768xf32, #tpu.memory_space<hbm>>
    tpu.wait_indirect_dma semaphore(%arg9 : memref<!tpu.dma_semaphore, #tpu.memory_space<semaphore_mem>>) src(%dma_wait3A_44 : memref<6144x768xf32, #tpu.memory_space<hbm>>) dst(%arg7 : memref<32x768xf32, #tpu.memory_space<vmem>>)
    %dma_start3A_45 = arith.constant 0 : i32
    %dma_start3A_46 = tpu.memref_slice %arg4[%multiple_of3A, %dma_start3A_45] : memref<2048x768xf32, #tpu.memory_space<hbm>> -> memref<32x768xf32, #tpu.memory_space<hbm>>
    %dma_start3A_47 = arith.constant 0 : i32
    %dma_start3A_48 = tpu.memref_slice %arg4[%multiple_of3A, %dma_start3A_47] : memref<2048x768xf32, #tpu.memory_space<hbm>> -> memref<32x768xf32, #tpu.memory_space<hbm>>
    tpu.enqueue_dma source(%arg7 : memref<32x768xf32, #tpu.memory_space<vmem>>) target(%dma_start3A_48 : memref<32x768xf32, #tpu.memory_space<hbm>>) target_semaphore(%arg11 : memref<!tpu.dma_semaphore, #tpu.memory_space<semaphore_mem>>)
    %dma_wait3A_49 = arith.constant 0 : i32
    %dma_wait3A_50 = arith.constant 0 : i32
    %dma_wait3A_51 = tpu.memref_slice %arg2[%dma_wait3A_49, %dma_wait3A_50] : memref<6144x768xf32, #tpu.memory_space<hbm>> -> memref<6144x768xf32, #tpu.memory_space<hbm>>
    tpu.wait_indirect_dma semaphore(%arg10 : memref<!tpu.dma_semaphore, #tpu.memory_space<semaphore_mem>>) src(%dma_wait3A_51 : memref<6144x768xf32, #tpu.memory_space<hbm>>) dst(%arg8 : memref<32x768xf32, #tpu.memory_space<vmem>>)
    %add3A_52 = arith.constant 32 : i32
    %add3A_53 = arith.addi %multiple_of3A, %add3A_52 : i32
    %dma_start3A_54 = arith.constant 0 : i32
    %dma_start3A_55 = tpu.memref_slice %arg4[%add3A_53, %dma_start3A_54] : memref<2048x768xf32, #tpu.memory_space<hbm>> -> memref<32x768xf32, #tpu.memory_space<hbm>>
    %dma_start3A_56 = arith.constant 0 : i32
    %dma_start3A_57 = tpu.memref_slice %arg4[%add3A_53, %dma_start3A_56] : memref<2048x768xf32, #tpu.memory_space<hbm>> -> memref<32x768xf32, #tpu.memory_space<hbm>>
    tpu.enqueue_dma source(%arg8 : memref<32x768xf32, #tpu.memory_space<vmem>>) target(%dma_start3A_57 : memref<32x768xf32, #tpu.memory_space<hbm>>) target_semaphore(%arg12 : memref<!tpu.dma_semaphore, #tpu.memory_space<semaphore_mem>>)
    %dma_wait3A_58 = arith.constant 0 : i32
    %dma_wait3A_59 = tpu.memref_slice %arg4[%multiple_of3A, %dma_wait3A_58] : memref<2048x768xf32, #tpu.memory_space<hbm>> -> memref<32x768xf32, #tpu.memory_space<hbm>>
    %dma_wait3A_60 = arith.constant 0 : i32
    %dma_wait3A_61 = tpu.memref_slice %arg4[%multiple_of3A, %dma_wait3A_60] : memref<2048x768xf32, #tpu.memory_space<hbm>> -> memref<32x768xf32, #tpu.memory_space<hbm>>
    tpu.wait_dma2 semaphore(%arg11 : memref<!tpu.dma_semaphore, #tpu.memory_space<semaphore_mem>>) src(%arg7 : memref<32x768xf32, #tpu.memory_space<vmem>>) dst(%dma_wait3A_61 : memref<32x768xf32, #tpu.memory_space<hbm>>)
    %dma_wait3A_62 = arith.constant 0 : i32
    %dma_wait3A_63 = tpu.memref_slice %arg4[%add3A_53, %dma_wait3A_62] : memref<2048x768xf32, #tpu.memory_space<hbm>> -> memref<32x768xf32, #tpu.memory_space<hbm>>
    %dma_wait3A_64 = arith.constant 0 : i32
    %dma_wait3A_65 = tpu.memref_slice %arg4[%add3A_53, %dma_wait3A_64] : memref<2048x768xf32, #tpu.memory_space<hbm>> -> memref<32x768xf32, #tpu.memory_space<hbm>>
    tpu.wait_dma2 semaphore(%arg12 : memref<!tpu.dma_semaphore, #tpu.memory_space<semaphore_mem>>) src(%arg8 : memref<32x768xf32, #tpu.memory_space<vmem>>) dst(%dma_wait3A_65 : memref<32x768xf32, #tpu.memory_space<hbm>>)
    return
  }
}

#map = affine_map<(d0, d1) -> (0, 0)>
module attributes {stable_mosaic.version = 14 : i64} {
  func.func @dispatch(%arg0: i32, %arg1: i32, %arg2: memref<2048x768xf32, #tpu.memory_space<hbm>>, %arg3: memref<2048x128xf32, #tpu.memory_space<hbm>>, %arg4: memref<16x128xi32, #tpu.memory_space<hbm>>, %arg5: memref<6144x768xf32, #tpu.memory_space<hbm>>, %arg6: memref<6144x128xf32, #tpu.memory_space<hbm>>, %arg7: memref<32xi32, #tpu.memory_space<vmem>>, %arg8: memref<32xi32, #tpu.memory_space<vmem>>, %arg9: memref<32x768xf32, #tpu.memory_space<vmem>>, %arg10: memref<32x768xf32, #tpu.memory_space<vmem>>, %arg11: memref<64x128xf32, #tpu.memory_space<vmem>>, %arg12: memref<!tpu.dma_semaphore, #tpu.memory_space<semaphore_mem>>, %arg13: memref<!tpu.dma_semaphore, #tpu.memory_space<semaphore_mem>>, %arg14: memref<!tpu.dma_semaphore, #tpu.memory_space<semaphore_mem>>, %arg15: memref<!tpu.dma_semaphore, #tpu.memory_space<semaphore_mem>>, %arg16: memref<!tpu.dma_semaphore, #tpu.memory_space<semaphore_mem>>, %arg17: memref<!tpu.dma_semaphore, #tpu.memory_space<semaphore_mem>>) attributes {dimension_semantics = [#tpu.dimension_semantics<core_parallel>, #tpu.dimension_semantics<subcore_parallel>], iteration_bounds = array<i64: 2, 16>, scalar_prefetch = 0 : i64, scratch_operands = 11 : i64, tpu.core_type = #tpu.core_type<sc_vector_subcore>, window_params = [{transform_indices = #map}, {transform_indices = #map}, {transform_indices = #map}, {transform_indices = #map}, {transform_indices = #map}]} {
    %mul3A = arith.constant 2 : i32
    %mul3A_0 = arith.muli %arg1, %mul3A : i32
    %add3A = arith.addi %mul3A_0, %arg0 : i32
    %mul3A_1 = arith.constant 64 : i32
    %mul3A_2 = arith.muli %add3A, %mul3A_1 : i32
    %multiple_of3A = tpu.assume_multiple %mul3A_2, 8 : i32
    %jit3A = arith.constant 2 : i32
    %div3A = arith.divsi %add3A, %jit3A : i32
    %sign3A = arith.constant 0 : i32
    %sign3A_3 = arith.cmpi sgt, %add3A, %sign3A : i32
    %sign3A_4 = arith.extui %sign3A_3 : i1 to i32
    %sign3A_5 = arith.constant 0 : i32
    %sign3A_6 = arith.cmpi slt, %add3A, %sign3A_5 : i32
    %sign3A_7 = arith.extui %sign3A_6 : i1 to i32
    %sign3A_8 = arith.subi %sign3A_4, %sign3A_7 : i32
    %sign3A_9 = arith.constant 0 : i32
    %sign3A_10 = arith.cmpi sgt, %jit3A, %sign3A_9 : i32
    %sign3A_11 = arith.extui %sign3A_10 : i1 to i32
    %sign3A_12 = arith.constant 0 : i32
    %sign3A_13 = arith.cmpi slt, %jit3A, %sign3A_12 : i32
    %sign3A_14 = arith.extui %sign3A_13 : i1 to i32
    %sign3A_15 = arith.subi %sign3A_11, %sign3A_14 : i32
    %ne3A = arith.cmpi ne, %sign3A_8, %sign3A_15 : i32
    %rem3A = arith.remsi %add3A, %jit3A : i32
    %ne3A_16 = arith.constant 0 : i32
    %ne3A_17 = arith.cmpi ne, %rem3A, %ne3A_16 : i32
    %and3A = arith.andi %ne3A, %ne3A_17 : i1
    %sub3A = arith.constant 1 : i32
    %sub3A_18 = arith.subi %div3A, %sub3A : i32
    %select_n3A = arith.select %and3A, %sub3A_18, %div3A : i32
    %jit3A_19 = arith.constant 2 : i32
    %eq3A = arith.constant 0 : i32
    %eq3A_20 = arith.cmpi eq, %jit3A_19, %eq3A : i32
    %jit3A_21 = arith.constant 1 : i32
    %select_n3A_22 = arith.select %eq3A_20, %jit3A_21, %jit3A_19 : i32
    %rem3A_23 = arith.remsi %add3A, %select_n3A_22 : i32
    %ne3A_24 = arith.constant 0 : i32
    %ne3A_25 = arith.cmpi ne, %rem3A_23, %ne3A_24 : i32
    %lt3A = arith.constant 0 : i32
    %lt3A_26 = arith.cmpi slt, %rem3A_23, %lt3A : i32
    %lt3A_27 = arith.constant 0 : i32
    %lt3A_28 = arith.cmpi slt, %select_n3A_22, %lt3A_27 : i32
    %ne3A_29 = arith.xori %lt3A_26, %lt3A_28 : i1
    %and3A_30 = arith.andi %ne3A_29, %ne3A_25 : i1
    %add3A_31 = arith.addi %rem3A_23, %select_n3A_22 : i32
    %select_n3A_32 = arith.select %and3A_30, %add3A_31, %rem3A_23 : i32
    %mul3A_33 = arith.constant 64 : i32
    %mul3A_34 = arith.muli %select_n3A_32, %mul3A_33 : i32
    %multiple_of3A_35 = tpu.assume_multiple %mul3A_34, 8 : i32
    "tpu.region"() ({
      %run_scoped3A = tpu.sem_alloc : memref<!tpu.dma_semaphore, #tpu.memory_space<semaphore_mem>>
      %dma_start3A_98 = tpu.memref_slice %arg4[%select_n3A, %multiple_of3A_35] : memref<16x128xi32, #tpu.memory_space<hbm>> -> memref<1x32xi32, #tpu.memory_space<hbm>>
      %dma_start3A_99 = tpu.memref_squeeze %dma_start3A_98 : memref<1x32xi32, #tpu.memory_space<hbm>> -> memref<32xi32, #tpu.memory_space<hbm>>
      %dma_start3A_100 = tpu.memref_slice %arg4[%select_n3A, %multiple_of3A_35] : memref<16x128xi32, #tpu.memory_space<hbm>> -> memref<1x32xi32, #tpu.memory_space<hbm>>
      %dma_start3A_101 = tpu.memref_squeeze %dma_start3A_100 : memref<1x32xi32, #tpu.memory_space<hbm>> -> memref<32xi32, #tpu.memory_space<hbm>>
      tpu.enqueue_dma source(%dma_start3A_101 : memref<32xi32, #tpu.memory_space<hbm>>) target(%arg7 : memref<32xi32, #tpu.memory_space<vmem>>) target_semaphore(%run_scoped3A : memref<!tpu.dma_semaphore, #tpu.memory_space<semaphore_mem>>)
      %dma_wait3A_102 = tpu.memref_slice %arg4[%select_n3A, %multiple_of3A_35] : memref<16x128xi32, #tpu.memory_space<hbm>> -> memref<1x32xi32, #tpu.memory_space<hbm>>
      %dma_wait3A_103 = tpu.memref_squeeze %dma_wait3A_102 : memref<1x32xi32, #tpu.memory_space<hbm>> -> memref<32xi32, #tpu.memory_space<hbm>>
      %dma_wait3A_104 = tpu.memref_slice %arg4[%select_n3A, %multiple_of3A_35] : memref<16x128xi32, #tpu.memory_space<hbm>> -> memref<1x32xi32, #tpu.memory_space<hbm>>
      %dma_wait3A_105 = tpu.memref_squeeze %dma_wait3A_104 : memref<1x32xi32, #tpu.memory_space<hbm>> -> memref<32xi32, #tpu.memory_space<hbm>>
      tpu.wait_dma2 semaphore(%run_scoped3A : memref<!tpu.dma_semaphore, #tpu.memory_space<semaphore_mem>>) src(%dma_wait3A_105 : memref<32xi32, #tpu.memory_space<hbm>>) dst(%arg7 : memref<32xi32, #tpu.memory_space<vmem>>)
      tpu.yield
    }) : () -> ()
    %add3A_36 = arith.constant 32 : i32
    %add3A_37 = arith.addi %multiple_of3A_35, %add3A_36 : i32
    "tpu.region"() ({
      %run_scoped3A = tpu.sem_alloc : memref<!tpu.dma_semaphore, #tpu.memory_space<semaphore_mem>>
      %dma_start3A_98 = tpu.memref_slice %arg4[%select_n3A, %add3A_37] : memref<16x128xi32, #tpu.memory_space<hbm>> -> memref<1x32xi32, #tpu.memory_space<hbm>>
      %dma_start3A_99 = tpu.memref_squeeze %dma_start3A_98 : memref<1x32xi32, #tpu.memory_space<hbm>> -> memref<32xi32, #tpu.memory_space<hbm>>
      %dma_start3A_100 = tpu.memref_slice %arg4[%select_n3A, %add3A_37] : memref<16x128xi32, #tpu.memory_space<hbm>> -> memref<1x32xi32, #tpu.memory_space<hbm>>
      %dma_start3A_101 = tpu.memref_squeeze %dma_start3A_100 : memref<1x32xi32, #tpu.memory_space<hbm>> -> memref<32xi32, #tpu.memory_space<hbm>>
      tpu.enqueue_dma source(%dma_start3A_101 : memref<32xi32, #tpu.memory_space<hbm>>) target(%arg8 : memref<32xi32, #tpu.memory_space<vmem>>) target_semaphore(%run_scoped3A : memref<!tpu.dma_semaphore, #tpu.memory_space<semaphore_mem>>)
      %dma_wait3A_102 = tpu.memref_slice %arg4[%select_n3A, %add3A_37] : memref<16x128xi32, #tpu.memory_space<hbm>> -> memref<1x32xi32, #tpu.memory_space<hbm>>
      %dma_wait3A_103 = tpu.memref_squeeze %dma_wait3A_102 : memref<1x32xi32, #tpu.memory_space<hbm>> -> memref<32xi32, #tpu.memory_space<hbm>>
      %dma_wait3A_104 = tpu.memref_slice %arg4[%select_n3A, %add3A_37] : memref<16x128xi32, #tpu.memory_space<hbm>> -> memref<1x32xi32, #tpu.memory_space<hbm>>
      %dma_wait3A_105 = tpu.memref_squeeze %dma_wait3A_104 : memref<1x32xi32, #tpu.memory_space<hbm>> -> memref<32xi32, #tpu.memory_space<hbm>>
      tpu.wait_dma2 semaphore(%run_scoped3A : memref<!tpu.dma_semaphore, #tpu.memory_space<semaphore_mem>>) src(%dma_wait3A_105 : memref<32xi32, #tpu.memory_space<hbm>>) dst(%arg8 : memref<32xi32, #tpu.memory_space<vmem>>)
      tpu.yield
    }) : () -> ()
    %dma_start3A = arith.constant 0 : i32
    %dma_start3A_38 = tpu.memref_slice %arg2[%multiple_of3A, %dma_start3A] : memref<2048x768xf32, #tpu.memory_space<hbm>> -> memref<32x768xf32, #tpu.memory_space<hbm>>
    %dma_start3A_39 = arith.constant 0 : i32
    %dma_start3A_40 = tpu.memref_slice %arg2[%multiple_of3A, %dma_start3A_39] : memref<2048x768xf32, #tpu.memory_space<hbm>> -> memref<32x768xf32, #tpu.memory_space<hbm>>
    tpu.enqueue_dma source(%dma_start3A_40 : memref<32x768xf32, #tpu.memory_space<hbm>>) target(%arg9 : memref<32x768xf32, #tpu.memory_space<vmem>>) target_semaphore(%arg12 : memref<!tpu.dma_semaphore, #tpu.memory_space<semaphore_mem>>)
    %add3A_41 = arith.constant 32 : i32
    %add3A_42 = arith.addi %multiple_of3A, %add3A_41 : i32
    %dma_start3A_43 = arith.constant 0 : i32
    %dma_start3A_44 = tpu.memref_slice %arg2[%add3A_42, %dma_start3A_43] : memref<2048x768xf32, #tpu.memory_space<hbm>> -> memref<32x768xf32, #tpu.memory_space<hbm>>
    %dma_start3A_45 = arith.constant 0 : i32
    %dma_start3A_46 = tpu.memref_slice %arg2[%add3A_42, %dma_start3A_45] : memref<2048x768xf32, #tpu.memory_space<hbm>> -> memref<32x768xf32, #tpu.memory_space<hbm>>
    tpu.enqueue_dma source(%dma_start3A_46 : memref<32x768xf32, #tpu.memory_space<hbm>>) target(%arg10 : memref<32x768xf32, #tpu.memory_space<vmem>>) target_semaphore(%arg13 : memref<!tpu.dma_semaphore, #tpu.memory_space<semaphore_mem>>)
    %dma_start3A_47 = arith.constant 0 : i32
    %dma_start3A_48 = tpu.memref_slice %arg3[%multiple_of3A, %dma_start3A_47] : memref<2048x128xf32, #tpu.memory_space<hbm>> -> memref<64x128xf32, #tpu.memory_space<hbm>>
    %dma_start3A_49 = arith.constant 0 : i32
    %dma_start3A_50 = tpu.memref_slice %arg3[%multiple_of3A, %dma_start3A_49] : memref<2048x128xf32, #tpu.memory_space<hbm>> -> memref<64x128xf32, #tpu.memory_space<hbm>>
    tpu.enqueue_dma source(%dma_start3A_50 : memref<64x128xf32, #tpu.memory_space<hbm>>) target(%arg11 : memref<64x128xf32, #tpu.memory_space<vmem>>) target_semaphore(%arg14 : memref<!tpu.dma_semaphore, #tpu.memory_space<semaphore_mem>>)
    %dma_wait3A = arith.constant 0 : i32
    %dma_wait3A_51 = tpu.memref_slice %arg2[%multiple_of3A, %dma_wait3A] : memref<2048x768xf32, #tpu.memory_space<hbm>> -> memref<32x768xf32, #tpu.memory_space<hbm>>
    %dma_wait3A_52 = arith.constant 0 : i32
    %dma_wait3A_53 = tpu.memref_slice %arg2[%multiple_of3A, %dma_wait3A_52] : memref<2048x768xf32, #tpu.memory_space<hbm>> -> memref<32x768xf32, #tpu.memory_space<hbm>>
    tpu.wait_dma2 semaphore(%arg12 : memref<!tpu.dma_semaphore, #tpu.memory_space<semaphore_mem>>) src(%dma_wait3A_53 : memref<32x768xf32, #tpu.memory_space<hbm>>) dst(%arg9 : memref<32x768xf32, #tpu.memory_space<vmem>>)
    %dma_start3A_54 = arith.constant 0 : i32
    %dma_start3A_55 = arith.constant 0 : i32
    %dma_start3A_56 = tpu.memref_slice %arg5[%dma_start3A_54, %dma_start3A_55] : memref<6144x768xf32, #tpu.memory_space<hbm>> -> memref<6144x768xf32, #tpu.memory_space<hbm>>
    tpu.enqueue_indirect_dma source(%arg9 : memref<32x768xf32, #tpu.memory_space<vmem>>) target(%dma_start3A_56 : memref<6144x768xf32, #tpu.memory_space<hbm>>) offsets(%arg7 : memref<32xi32, #tpu.memory_space<vmem>>) semaphore(%arg15 : memref<!tpu.dma_semaphore, #tpu.memory_space<semaphore_mem>>)
    %dma_wait3A_57 = arith.constant 0 : i32
    %dma_wait3A_58 = tpu.memref_slice %arg2[%add3A_42, %dma_wait3A_57] : memref<2048x768xf32, #tpu.memory_space<hbm>> -> memref<32x768xf32, #tpu.memory_space<hbm>>
    %dma_wait3A_59 = arith.constant 0 : i32
    %dma_wait3A_60 = tpu.memref_slice %arg2[%add3A_42, %dma_wait3A_59] : memref<2048x768xf32, #tpu.memory_space<hbm>> -> memref<32x768xf32, #tpu.memory_space<hbm>>
    tpu.wait_dma2 semaphore(%arg13 : memref<!tpu.dma_semaphore, #tpu.memory_space<semaphore_mem>>) src(%dma_wait3A_60 : memref<32x768xf32, #tpu.memory_space<hbm>>) dst(%arg10 : memref<32x768xf32, #tpu.memory_space<vmem>>)
    %dma_start3A_61 = arith.constant 0 : i32
    %dma_start3A_62 = arith.constant 0 : i32
    %dma_start3A_63 = tpu.memref_slice %arg5[%dma_start3A_61, %dma_start3A_62] : memref<6144x768xf32, #tpu.memory_space<hbm>> -> memref<6144x768xf32, #tpu.memory_space<hbm>>
    tpu.enqueue_indirect_dma source(%arg10 : memref<32x768xf32, #tpu.memory_space<vmem>>) target(%dma_start3A_63 : memref<6144x768xf32, #tpu.memory_space<hbm>>) offsets(%arg8 : memref<32xi32, #tpu.memory_space<vmem>>) semaphore(%arg16 : memref<!tpu.dma_semaphore, #tpu.memory_space<semaphore_mem>>)
    %dma_wait3A_64 = arith.constant 0 : i32
    %dma_wait3A_65 = tpu.memref_slice %arg3[%multiple_of3A, %dma_wait3A_64] : memref<2048x128xf32, #tpu.memory_space<hbm>> -> memref<64x128xf32, #tpu.memory_space<hbm>>
    %dma_wait3A_66 = arith.constant 0 : i32
    %dma_wait3A_67 = tpu.memref_slice %arg3[%multiple_of3A, %dma_wait3A_66] : memref<2048x128xf32, #tpu.memory_space<hbm>> -> memref<64x128xf32, #tpu.memory_space<hbm>>
    tpu.wait_dma2 semaphore(%arg14 : memref<!tpu.dma_semaphore, #tpu.memory_space<semaphore_mem>>) src(%dma_wait3A_67 : memref<64x128xf32, #tpu.memory_space<hbm>>) dst(%arg11 : memref<64x128xf32, #tpu.memory_space<vmem>>)
    %dma_start3A_68 = arith.constant 0 : i32
    %dma_start3A_69 = arith.constant 0 : i32
    %dma_start3A_70 = tpu.memref_slice %arg11[%dma_start3A_68, %dma_start3A_69] : memref<64x128xf32, #tpu.memory_space<vmem>> -> memref<32x128xf32, #tpu.memory_space<vmem>>
    %dma_start3A_71 = arith.constant 0 : i32
    %dma_start3A_72 = arith.constant 0 : i32
    %dma_start3A_73 = tpu.memref_slice %arg6[%dma_start3A_71, %dma_start3A_72] : memref<6144x128xf32, #tpu.memory_space<hbm>> -> memref<6144x128xf32, #tpu.memory_space<hbm>>
    tpu.enqueue_indirect_dma source(%dma_start3A_70 : memref<32x128xf32, #tpu.memory_space<vmem>>) target(%dma_start3A_73 : memref<6144x128xf32, #tpu.memory_space<hbm>>) offsets(%arg7 : memref<32xi32, #tpu.memory_space<vmem>>) semaphore(%arg17 : memref<!tpu.dma_semaphore, #tpu.memory_space<semaphore_mem>>)
    %dma_wait3A_74 = arith.constant 0 : i32
    %dma_wait3A_75 = arith.constant 0 : i32
    %dma_wait3A_76 = tpu.memref_slice %arg5[%dma_wait3A_74, %dma_wait3A_75] : memref<6144x768xf32, #tpu.memory_space<hbm>> -> memref<6144x768xf32, #tpu.memory_space<hbm>>
    tpu.wait_indirect_dma semaphore(%arg15 : memref<!tpu.dma_semaphore, #tpu.memory_space<semaphore_mem>>) src(%arg9 : memref<32x768xf32, #tpu.memory_space<vmem>>) dst(%dma_wait3A_76 : memref<6144x768xf32, #tpu.memory_space<hbm>>)
    %dma_start3A_77 = arith.constant 32 : i32
    %dma_start3A_78 = arith.constant 0 : i32
    %dma_start3A_79 = tpu.memref_slice %arg11[%dma_start3A_77, %dma_start3A_78] : memref<64x128xf32, #tpu.memory_space<vmem>> -> memref<32x128xf32, #tpu.memory_space<vmem>>
    %dma_start3A_80 = arith.constant 0 : i32
    %dma_start3A_81 = arith.constant 0 : i32
    %dma_start3A_82 = tpu.memref_slice %arg6[%dma_start3A_80, %dma_start3A_81] : memref<6144x128xf32, #tpu.memory_space<hbm>> -> memref<6144x128xf32, #tpu.memory_space<hbm>>
    tpu.enqueue_indirect_dma source(%dma_start3A_79 : memref<32x128xf32, #tpu.memory_space<vmem>>) target(%dma_start3A_82 : memref<6144x128xf32, #tpu.memory_space<hbm>>) offsets(%arg8 : memref<32xi32, #tpu.memory_space<vmem>>) semaphore(%arg15 : memref<!tpu.dma_semaphore, #tpu.memory_space<semaphore_mem>>)
    %dma_wait3A_83 = arith.constant 0 : i32
    %dma_wait3A_84 = arith.constant 0 : i32
    %dma_wait3A_85 = tpu.memref_slice %arg5[%dma_wait3A_83, %dma_wait3A_84] : memref<6144x768xf32, #tpu.memory_space<hbm>> -> memref<6144x768xf32, #tpu.memory_space<hbm>>
    tpu.wait_indirect_dma semaphore(%arg16 : memref<!tpu.dma_semaphore, #tpu.memory_space<semaphore_mem>>) src(%arg10 : memref<32x768xf32, #tpu.memory_space<vmem>>) dst(%dma_wait3A_85 : memref<6144x768xf32, #tpu.memory_space<hbm>>)
    %dma_wait3A_86 = arith.constant 0 : i32
    %dma_wait3A_87 = arith.constant 0 : i32
    %dma_wait3A_88 = tpu.memref_slice %arg11[%dma_wait3A_86, %dma_wait3A_87] : memref<64x128xf32, #tpu.memory_space<vmem>> -> memref<32x128xf32, #tpu.memory_space<vmem>>
    %dma_wait3A_89 = arith.constant 0 : i32
    %dma_wait3A_90 = arith.constant 0 : i32
    %dma_wait3A_91 = tpu.memref_slice %arg6[%dma_wait3A_89, %dma_wait3A_90] : memref<6144x128xf32, #tpu.memory_space<hbm>> -> memref<6144x128xf32, #tpu.memory_space<hbm>>
    tpu.wait_indirect_dma semaphore(%arg17 : memref<!tpu.dma_semaphore, #tpu.memory_space<semaphore_mem>>) src(%dma_wait3A_88 : memref<32x128xf32, #tpu.memory_space<vmem>>) dst(%dma_wait3A_91 : memref<6144x128xf32, #tpu.memory_space<hbm>>)
    %dma_wait3A_92 = arith.constant 32 : i32
    %dma_wait3A_93 = arith.constant 0 : i32
    %dma_wait3A_94 = tpu.memref_slice %arg11[%dma_wait3A_92, %dma_wait3A_93] : memref<64x128xf32, #tpu.memory_space<vmem>> -> memref<32x128xf32, #tpu.memory_space<vmem>>
    %dma_wait3A_95 = arith.constant 0 : i32
    %dma_wait3A_96 = arith.constant 0 : i32
    %dma_wait3A_97 = tpu.memref_slice %arg6[%dma_wait3A_95, %dma_wait3A_96] : memref<6144x128xf32, #tpu.memory_space<hbm>> -> memref<6144x128xf32, #tpu.memory_space<hbm>>
    tpu.wait_indirect_dma semaphore(%arg15 : memref<!tpu.dma_semaphore, #tpu.memory_space<semaphore_mem>>) src(%dma_wait3A_94 : memref<32x128xf32, #tpu.memory_space<vmem>>) dst(%dma_wait3A_97 : memref<6144x128xf32, #tpu.memory_space<hbm>>)
    return
  }
}

module attributes {stable_mosaic.version = 14 : i64} {
  func.func @_router_body(%arg0: memref<2048x768xf32, #tpu.memory_space<vmem>>, %arg1: memref<16x768xf32, #tpu.memory_space<vmem>>, %arg2: memref<16x128xi32, #tpu.memory_space<vmem>>, %arg3: memref<2048x128xf32, #tpu.memory_space<vmem>>, %arg4: memref<3x24xi32, #tpu.memory_space<vmem>>, %arg5: memref<1x1xf32, #tpu.memory_space<vmem>>) attributes {dimension_semantics = [], scalar_prefetch = 0 : i64, scratch_operands = 0 : i64, tpu.core_type = #tpu.core_type<tc>} {
    %get3A = arith.constant 0 : index
    %get3A_0 = arith.constant 0 : index
    %get3A_1 = vector.load %arg0[%get3A, %get3A_0] : memref<2048x768xf32, #tpu.memory_space<vmem>>, vector<2048x768xf32>
    %get3A_2 = arith.constant 0 : index
    %get3A_3 = arith.constant 0 : index
    %get3A_4 = vector.load %arg1[%get3A_2, %get3A_3] : memref<16x768xf32, #tpu.memory_space<vmem>>, vector<16x768xf32>
    %dot_general3A = arith.constant dense<0.000000e+00> : vector<2048x16xf32>
    %dot_general3A_5 = tpu.matmul %get3A_1, %get3A_4, %dot_general3A {dimension_numbers = #tpu.dot_dimension_numbers<[1], [1], [0], [0], [0, 0, 1, 0], [], []>, transpose_lhs_hint = false} : vector<2048x768xf32>, vector<16x768xf32>, vector<2048x16xf32> -> vector<2048x16xf32>
    %reduce_max3A = arith.constant dense<0xFF800000> : vector<2048xf32>
    %reduce_max3A_6 = vector.multi_reduction <maximumf>, %dot_general3A_5, %reduce_max3A [1] : vector<2048x16xf32> to vector<2048xf32>
    %broadcast_in_dim3A = vector.shape_cast %reduce_max3A_6 : vector<2048xf32> to vector<2048x1xf32>
    %sub3A = vector.broadcast %broadcast_in_dim3A : vector<2048x1xf32> to vector<2048x16xf32>
    %sub3A_7 = arith.subf %dot_general3A_5, %sub3A : vector<2048x16xf32>
    %exp3A = math.exp %sub3A_7 : vector<2048x16xf32>
    %reduce_sum3A = arith.constant dense<0.000000e+00> : vector<2048xf32>
    %reduce_sum3A_8 = vector.multi_reduction <add>, %exp3A, %reduce_sum3A [1] : vector<2048x16xf32> to vector<2048xf32>
    %broadcast_in_dim3A_9 = vector.shape_cast %reduce_sum3A_8 : vector<2048xf32> to vector<2048x1xf32>
    %div3A = vector.broadcast %broadcast_in_dim3A_9 : vector<2048x1xf32> to vector<2048x16xf32>
    %div3A_10 = arith.divf %exp3A, %div3A : vector<2048x16xf32>
    %reduce_max3A_11 = arith.constant dense<0xFF800000> : vector<2048xf32>
    %reduce_max3A_12 = vector.multi_reduction <maximumf>, %div3A_10, %reduce_max3A_11 [1] : vector<2048x16xf32> to vector<2048xf32>
    %broadcast_in_dim3A_13 = vector.shape_cast %reduce_max3A_12 : vector<2048xf32> to vector<2048x1xf32>
    %iota3A = tpu.iota {dimensions = array<i32: 1>} : vector<2048x16xi32>
    %eq3A = vector.broadcast %broadcast_in_dim3A_13 : vector<2048x1xf32> to vector<2048x16xf32>
    %eq3A_14 = arith.cmpf oeq, %div3A_10, %eq3A : vector<2048x16xf32>
    %jit3A = arith.constant 16 : i32
    %broadcast_in_dim3A_15 = vector.broadcast %jit3A : i32 to vector<2048x16xi32>
    %select_n3A = arith.select %eq3A_14, %iota3A, %broadcast_in_dim3A_15 : vector<2048x16xi1>, vector<2048x16xi32>
    %reduce_min3A = arith.constant dense<2147483647> : vector<2048xi32>
    %reduce_min3A_16 = vector.multi_reduction <minsi>, %select_n3A, %reduce_min3A [1] : vector<2048x16xi32> to vector<2048xi32>
    %broadcast_in_dim3A_17 = vector.shape_cast %reduce_min3A_16 : vector<2048xi32> to vector<2048x1xi32>
    %eq3A_18 = vector.broadcast %broadcast_in_dim3A_17 : vector<2048x1xi32> to vector<2048x16xi32>
    %eq3A_19 = arith.cmpi eq, %iota3A, %eq3A_18 : vector<2048x16xi32>
    %convert_element_type3A = arith.extui %eq3A_19 : vector<2048x16xi1> to vector<2048x16xi32>
    %convert_element_type3A_20 = arith.sitofp %convert_element_type3A : vector<2048x16xi32> to vector<2048x16xf32>
    %iota3A_21 = tpu.iota {dimensions = array<i32: 0>} : vector<128x128xi32>
    %iota3A_22 = tpu.iota {dimensions = array<i32: 1>} : vector<128x128xi32>
    %ge3A = arith.cmpi sge, %iota3A_21, %iota3A_22 : vector<128x128xi32>
    %convert_element_type3A_23 = arith.extui %ge3A : vector<128x128xi1> to vector<128x128xi32>
    %convert_element_type3A_24 = arith.sitofp %convert_element_type3A_23 : vector<128x128xi32> to vector<128x128xf32>
    %slice3A = vector.extract_strided_slice %convert_element_type3A_20 {offsets = [0, 0], sizes = [128, 16], strides = [1, 1]} : vector<2048x16xf32> to vector<128x16xf32>
    %dot_general3A_25 = arith.constant dense<0.000000e+00> : vector<128x16xf32>
    %dot_general3A_26 = tpu.matmul %convert_element_type3A_24, %slice3A, %dot_general3A_25 {dimension_numbers = #tpu.dot_dimension_numbers<[1], [0], [0], [1], [0, 0, 1, 1], [], []>, transpose_lhs_hint = false} : vector<128x128xf32>, vector<128x16xf32>, vector<128x16xf32> -> vector<128x16xf32>
    %reduce_sum3A_27 = arith.constant dense<0.000000e+00> : vector<16xf32>
    %reduce_sum3A_28 = vector.multi_reduction <add>, %slice3A, %reduce_sum3A_27 [0] : vector<128x16xf32> to vector<16xf32>
    %broadcast_in_dim3A_29 = vector.shape_cast %reduce_sum3A_28 : vector<16xf32> to vector<1x16xf32>
    %slice3A_30 = vector.extract_strided_slice %convert_element_type3A_20 {offsets = [128, 0], sizes = [128, 16], strides = [1, 1]} : vector<2048x16xf32> to vector<128x16xf32>
    %dot_general3A_31 = arith.constant dense<0.000000e+00> : vector<128x16xf32>
    %dot_general3A_32 = tpu.matmul %convert_element_type3A_24, %slice3A_30, %dot_general3A_31 {dimension_numbers = #tpu.dot_dimension_numbers<[1], [0], [0], [1], [0, 0, 1, 1], [], []>, transpose_lhs_hint = false} : vector<128x128xf32>, vector<128x16xf32>, vector<128x16xf32> -> vector<128x16xf32>
    %reduce_sum3A_33 = arith.constant dense<0.000000e+00> : vector<16xf32>
    %reduce_sum3A_34 = vector.multi_reduction <add>, %slice3A_30, %reduce_sum3A_33 [0] : vector<128x16xf32> to vector<16xf32>
    %broadcast_in_dim3A_35 = vector.shape_cast %reduce_sum3A_34 : vector<16xf32> to vector<1x16xf32>
    %slice3A_36 = vector.extract_strided_slice %convert_element_type3A_20 {offsets = [256, 0], sizes = [128, 16], strides = [1, 1]} : vector<2048x16xf32> to vector<128x16xf32>
    %dot_general3A_37 = arith.constant dense<0.000000e+00> : vector<128x16xf32>
    %dot_general3A_38 = tpu.matmul %convert_element_type3A_24, %slice3A_36, %dot_general3A_37 {dimension_numbers = #tpu.dot_dimension_numbers<[1], [0], [0], [1], [0, 0, 1, 1], [], []>, transpose_lhs_hint = false} : vector<128x128xf32>, vector<128x16xf32>, vector<128x16xf32> -> vector<128x16xf32>
    %reduce_sum3A_39 = arith.constant dense<0.000000e+00> : vector<16xf32>
    %reduce_sum3A_40 = vector.multi_reduction <add>, %slice3A_36, %reduce_sum3A_39 [0] : vector<128x16xf32> to vector<16xf32>
    %broadcast_in_dim3A_41 = vector.shape_cast %reduce_sum3A_40 : vector<16xf32> to vector<1x16xf32>
    %slice3A_42 = vector.extract_strided_slice %convert_element_type3A_20 {offsets = [384, 0], sizes = [128, 16], strides = [1, 1]} : vector<2048x16xf32> to vector<128x16xf32>
    %dot_general3A_43 = arith.constant dense<0.000000e+00> : vector<128x16xf32>
    %dot_general3A_44 = tpu.matmul %convert_element_type3A_24, %slice3A_42, %dot_general3A_43 {dimension_numbers = #tpu.dot_dimension_numbers<[1], [0], [0], [1], [0, 0, 1, 1], [], []>, transpose_lhs_hint = false} : vector<128x128xf32>, vector<128x16xf32>, vector<128x16xf32> -> vector<128x16xf32>
    %reduce_sum3A_45 = arith.constant dense<0.000000e+00> : vector<16xf32>
    %reduce_sum3A_46 = vector.multi_reduction <add>, %slice3A_42, %reduce_sum3A_45 [0] : vector<128x16xf32> to vector<16xf32>
    %broadcast_in_dim3A_47 = vector.shape_cast %reduce_sum3A_46 : vector<16xf32> to vector<1x16xf32>
    %slice3A_48 = vector.extract_strided_slice %convert_element_type3A_20 {offsets = [512, 0], sizes = [128, 16], strides = [1, 1]} : vector<2048x16xf32> to vector<128x16xf32>
    %dot_general3A_49 = arith.constant dense<0.000000e+00> : vector<128x16xf32>
    %dot_general3A_50 = tpu.matmul %convert_element_type3A_24, %slice3A_48, %dot_general3A_49 {dimension_numbers = #tpu.dot_dimension_numbers<[1], [0], [0], [1], [0, 0, 1, 1], [], []>, transpose_lhs_hint = false} : vector<128x128xf32>, vector<128x16xf32>, vector<128x16xf32> -> vector<128x16xf32>
    %reduce_sum3A_51 = arith.constant dense<0.000000e+00> : vector<16xf32>
    %reduce_sum3A_52 = vector.multi_reduction <add>, %slice3A_48, %reduce_sum3A_51 [0] : vector<128x16xf32> to vector<16xf32>
    %broadcast_in_dim3A_53 = vector.shape_cast %reduce_sum3A_52 : vector<16xf32> to vector<1x16xf32>
    %slice3A_54 = vector.extract_strided_slice %convert_element_type3A_20 {offsets = [640, 0], sizes = [128, 16], strides = [1, 1]} : vector<2048x16xf32> to vector<128x16xf32>
    %dot_general3A_55 = arith.constant dense<0.000000e+00> : vector<128x16xf32>
    %dot_general3A_56 = tpu.matmul %convert_element_type3A_24, %slice3A_54, %dot_general3A_55 {dimension_numbers = #tpu.dot_dimension_numbers<[1], [0], [0], [1], [0, 0, 1, 1], [], []>, transpose_lhs_hint = false} : vector<128x128xf32>, vector<128x16xf32>, vector<128x16xf32> -> vector<128x16xf32>
    %reduce_sum3A_57 = arith.constant dense<0.000000e+00> : vector<16xf32>
    %reduce_sum3A_58 = vector.multi_reduction <add>, %slice3A_54, %reduce_sum3A_57 [0] : vector<128x16xf32> to vector<16xf32>
    %broadcast_in_dim3A_59 = vector.shape_cast %reduce_sum3A_58 : vector<16xf32> to vector<1x16xf32>
    %slice3A_60 = vector.extract_strided_slice %convert_element_type3A_20 {offsets = [768, 0], sizes = [128, 16], strides = [1, 1]} : vector<2048x16xf32> to vector<128x16xf32>
    %dot_general3A_61 = arith.constant dense<0.000000e+00> : vector<128x16xf32>
    %dot_general3A_62 = tpu.matmul %convert_element_type3A_24, %slice3A_60, %dot_general3A_61 {dimension_numbers = #tpu.dot_dimension_numbers<[1], [0], [0], [1], [0, 0, 1, 1], [], []>, transpose_lhs_hint = false} : vector<128x128xf32>, vector<128x16xf32>, vector<128x16xf32> -> vector<128x16xf32>
    %reduce_sum3A_63 = arith.constant dense<0.000000e+00> : vector<16xf32>
    %reduce_sum3A_64 = vector.multi_reduction <add>, %slice3A_60, %reduce_sum3A_63 [0] : vector<128x16xf32> to vector<16xf32>
    %broadcast_in_dim3A_65 = vector.shape_cast %reduce_sum3A_64 : vector<16xf32> to vector<1x16xf32>
    %slice3A_66 = vector.extract_strided_slice %convert_element_type3A_20 {offsets = [896, 0], sizes = [128, 16], strides = [1, 1]} : vector<2048x16xf32> to vector<128x16xf32>
    %dot_general3A_67 = arith.constant dense<0.000000e+00> : vector<128x16xf32>
    %dot_general3A_68 = tpu.matmul %convert_element_type3A_24, %slice3A_66, %dot_general3A_67 {dimension_numbers = #tpu.dot_dimension_numbers<[1], [0], [0], [1], [0, 0, 1, 1], [], []>, transpose_lhs_hint = false} : vector<128x128xf32>, vector<128x16xf32>, vector<128x16xf32> -> vector<128x16xf32>
    %reduce_sum3A_69 = arith.constant dense<0.000000e+00> : vector<16xf32>
    %reduce_sum3A_70 = vector.multi_reduction <add>, %slice3A_66, %reduce_sum3A_69 [0] : vector<128x16xf32> to vector<16xf32>
    %broadcast_in_dim3A_71 = vector.shape_cast %reduce_sum3A_70 : vector<16xf32> to vector<1x16xf32>
    %slice3A_72 = vector.extract_strided_slice %convert_element_type3A_20 {offsets = [1024, 0], sizes = [128, 16], strides = [1, 1]} : vector<2048x16xf32> to vector<128x16xf32>
    %dot_general3A_73 = arith.constant dense<0.000000e+00> : vector<128x16xf32>
    %dot_general3A_74 = tpu.matmul %convert_element_type3A_24, %slice3A_72, %dot_general3A_73 {dimension_numbers = #tpu.dot_dimension_numbers<[1], [0], [0], [1], [0, 0, 1, 1], [], []>, transpose_lhs_hint = false} : vector<128x128xf32>, vector<128x16xf32>, vector<128x16xf32> -> vector<128x16xf32>
    %reduce_sum3A_75 = arith.constant dense<0.000000e+00> : vector<16xf32>
    %reduce_sum3A_76 = vector.multi_reduction <add>, %slice3A_72, %reduce_sum3A_75 [0] : vector<128x16xf32> to vector<16xf32>
    %broadcast_in_dim3A_77 = vector.shape_cast %reduce_sum3A_76 : vector<16xf32> to vector<1x16xf32>
    %slice3A_78 = vector.extract_strided_slice %convert_element_type3A_20 {offsets = [1152, 0], sizes = [128, 16], strides = [1, 1]} : vector<2048x16xf32> to vector<128x16xf32>
    %dot_general3A_79 = arith.constant dense<0.000000e+00> : vector<128x16xf32>
    %dot_general3A_80 = tpu.matmul %convert_element_type3A_24, %slice3A_78, %dot_general3A_79 {dimension_numbers = #tpu.dot_dimension_numbers<[1], [0], [0], [1], [0, 0, 1, 1], [], []>, transpose_lhs_hint = false} : vector<128x128xf32>, vector<128x16xf32>, vector<128x16xf32> -> vector<128x16xf32>
    %reduce_sum3A_81 = arith.constant dense<0.000000e+00> : vector<16xf32>
    %reduce_sum3A_82 = vector.multi_reduction <add>, %slice3A_78, %reduce_sum3A_81 [0] : vector<128x16xf32> to vector<16xf32>
    %broadcast_in_dim3A_83 = vector.shape_cast %reduce_sum3A_82 : vector<16xf32> to vector<1x16xf32>
    %slice3A_84 = vector.extract_strided_slice %convert_element_type3A_20 {offsets = [1280, 0], sizes = [128, 16], strides = [1, 1]} : vector<2048x16xf32> to vector<128x16xf32>
    %dot_general3A_85 = arith.constant dense<0.000000e+00> : vector<128x16xf32>
    %dot_general3A_86 = tpu.matmul %convert_element_type3A_24, %slice3A_84, %dot_general3A_85 {dimension_numbers = #tpu.dot_dimension_numbers<[1], [0], [0], [1], [0, 0, 1, 1], [], []>, transpose_lhs_hint = false} : vector<128x128xf32>, vector<128x16xf32>, vector<128x16xf32> -> vector<128x16xf32>
    %reduce_sum3A_87 = arith.constant dense<0.000000e+00> : vector<16xf32>
    %reduce_sum3A_88 = vector.multi_reduction <add>, %slice3A_84, %reduce_sum3A_87 [0] : vector<128x16xf32> to vector<16xf32>
    %broadcast_in_dim3A_89 = vector.shape_cast %reduce_sum3A_88 : vector<16xf32> to vector<1x16xf32>
    %slice3A_90 = vector.extract_strided_slice %convert_element_type3A_20 {offsets = [1408, 0], sizes = [128, 16], strides = [1, 1]} : vector<2048x16xf32> to vector<128x16xf32>
    %dot_general3A_91 = arith.constant dense<0.000000e+00> : vector<128x16xf32>
    %dot_general3A_92 = tpu.matmul %convert_element_type3A_24, %slice3A_90, %dot_general3A_91 {dimension_numbers = #tpu.dot_dimension_numbers<[1], [0], [0], [1], [0, 0, 1, 1], [], []>, transpose_lhs_hint = false} : vector<128x128xf32>, vector<128x16xf32>, vector<128x16xf32> -> vector<128x16xf32>
    %reduce_sum3A_93 = arith.constant dense<0.000000e+00> : vector<16xf32>
    %reduce_sum3A_94 = vector.multi_reduction <add>, %slice3A_90, %reduce_sum3A_93 [0] : vector<128x16xf32> to vector<16xf32>
    %broadcast_in_dim3A_95 = vector.shape_cast %reduce_sum3A_94 : vector<16xf32> to vector<1x16xf32>
    %slice3A_96 = vector.extract_strided_slice %convert_element_type3A_20 {offsets = [1536, 0], sizes = [128, 16], strides = [1, 1]} : vector<2048x16xf32> to vector<128x16xf32>
    %dot_general3A_97 = arith.constant dense<0.000000e+00> : vector<128x16xf32>
    %dot_general3A_98 = tpu.matmul %convert_element_type3A_24, %slice3A_96, %dot_general3A_97 {dimension_numbers = #tpu.dot_dimension_numbers<[1], [0], [0], [1], [0, 0, 1, 1], [], []>, transpose_lhs_hint = false} : vector<128x128xf32>, vector<128x16xf32>, vector<128x16xf32> -> vector<128x16xf32>
    %reduce_sum3A_99 = arith.constant dense<0.000000e+00> : vector<16xf32>
    %reduce_sum3A_100 = vector.multi_reduction <add>, %slice3A_96, %reduce_sum3A_99 [0] : vector<128x16xf32> to vector<16xf32>
    %broadcast_in_dim3A_101 = vector.shape_cast %reduce_sum3A_100 : vector<16xf32> to vector<1x16xf32>
    %slice3A_102 = vector.extract_strided_slice %convert_element_type3A_20 {offsets = [1664, 0], sizes = [128, 16], strides = [1, 1]} : vector<2048x16xf32> to vector<128x16xf32>
    %dot_general3A_103 = arith.constant dense<0.000000e+00> : vector<128x16xf32>
    %dot_general3A_104 = tpu.matmul %convert_element_type3A_24, %slice3A_102, %dot_general3A_103 {dimension_numbers = #tpu.dot_dimension_numbers<[1], [0], [0], [1], [0, 0, 1, 1], [], []>, transpose_lhs_hint = false} : vector<128x128xf32>, vector<128x16xf32>, vector<128x16xf32> -> vector<128x16xf32>
    %reduce_sum3A_105 = arith.constant dense<0.000000e+00> : vector<16xf32>
    %reduce_sum3A_106 = vector.multi_reduction <add>, %slice3A_102, %reduce_sum3A_105 [0] : vector<128x16xf32> to vector<16xf32>
    %broadcast_in_dim3A_107 = vector.shape_cast %reduce_sum3A_106 : vector<16xf32> to vector<1x16xf32>
    %slice3A_108 = vector.extract_strided_slice %convert_element_type3A_20 {offsets = [1792, 0], sizes = [128, 16], strides = [1, 1]} : vector<2048x16xf32> to vector<128x16xf32>
    %dot_general3A_109 = arith.constant dense<0.000000e+00> : vector<128x16xf32>
    %dot_general3A_110 = tpu.matmul %convert_element_type3A_24, %slice3A_108, %dot_general3A_109 {dimension_numbers = #tpu.dot_dimension_numbers<[1], [0], [0], [1], [0, 0, 1, 1], [], []>, transpose_lhs_hint = false} : vector<128x128xf32>, vector<128x16xf32>, vector<128x16xf32> -> vector<128x16xf32>
    %reduce_sum3A_111 = arith.constant dense<0.000000e+00> : vector<16xf32>
    %reduce_sum3A_112 = vector.multi_reduction <add>, %slice3A_108, %reduce_sum3A_111 [0] : vector<128x16xf32> to vector<16xf32>
    %broadcast_in_dim3A_113 = vector.shape_cast %reduce_sum3A_112 : vector<16xf32> to vector<1x16xf32>
    %slice3A_114 = vector.extract_strided_slice %convert_element_type3A_20 {offsets = [1920, 0], sizes = [128, 16], strides = [1, 1]} : vector<2048x16xf32> to vector<128x16xf32>
    %dot_general3A_115 = arith.constant dense<0.000000e+00> : vector<128x16xf32>
    %dot_general3A_116 = tpu.matmul %convert_element_type3A_24, %slice3A_114, %dot_general3A_115 {dimension_numbers = #tpu.dot_dimension_numbers<[1], [0], [0], [1], [0, 0, 1, 1], [], []>, transpose_lhs_hint = false} : vector<128x128xf32>, vector<128x16xf32>, vector<128x16xf32> -> vector<128x16xf32>
    %reduce_sum3A_117 = arith.constant dense<0.000000e+00> : vector<16xf32>
    %reduce_sum3A_118 = vector.multi_reduction <add>, %slice3A_114, %reduce_sum3A_117 [0] : vector<128x16xf32> to vector<16xf32>
    %broadcast_in_dim3A_119 = vector.shape_cast %reduce_sum3A_118 : vector<16xf32> to vector<1x16xf32>
    %concatenate3A = tpu.concatenate %broadcast_in_dim3A_29, %broadcast_in_dim3A_35, %broadcast_in_dim3A_41, %broadcast_in_dim3A_47, %broadcast_in_dim3A_53, %broadcast_in_dim3A_59, %broadcast_in_dim3A_65, %broadcast_in_dim3A_71, %broadcast_in_dim3A_77, %broadcast_in_dim3A_83, %broadcast_in_dim3A_89, %broadcast_in_dim3A_95, %broadcast_in_dim3A_101, %broadcast_in_dim3A_107, %broadcast_in_dim3A_113, %broadcast_in_dim3A_119 in 0 : vector<1x16xf32>, vector<1x16xf32>, vector<1x16xf32>, vector<1x16xf32>, vector<1x16xf32>, vector<1x16xf32>, vector<1x16xf32>, vector<1x16xf32>, vector<1x16xf32>, vector<1x16xf32>, vector<1x16xf32>, vector<1x16xf32>, vector<1x16xf32>, vector<1x16xf32>, vector<1x16xf32>, vector<1x16xf32> -> vector<16x16xf32>
    %iota3A_120 = tpu.iota {dimensions = array<i32: 0>} : vector<16x16xi32>
    %iota3A_121 = tpu.iota {dimensions = array<i32: 1>} : vector<16x16xi32>
    %lt3A = arith.cmpi slt, %iota3A_121, %iota3A_120 : vector<16x16xi32>
    %convert_element_type3A_122 = arith.extui %lt3A : vector<16x16xi1> to vector<16x16xi32>
    %convert_element_type3A_123 = arith.sitofp %convert_element_type3A_122 : vector<16x16xi32> to vector<16x16xf32>
    %dot_general3A_124 = arith.constant dense<0.000000e+00> : vector<16x16xf32>
    %dot_general3A_125 = tpu.matmul %convert_element_type3A_123, %concatenate3A, %dot_general3A_124 {dimension_numbers = #tpu.dot_dimension_numbers<[1], [0], [0], [1], [0, 0, 1, 1], [], []>, transpose_lhs_hint = false} : vector<16x16xf32>, vector<16x16xf32>, vector<16x16xf32> -> vector<16x16xf32>
    %slice3A_126 = vector.extract_strided_slice %dot_general3A_125 {offsets = [0, 0], sizes = [1, 16], strides = [1, 1]} : vector<16x16xf32> to vector<1x16xf32>
    %add3A = vector.broadcast %slice3A_126 : vector<1x16xf32> to vector<128x16xf32>
    %add3A_127 = arith.addf %dot_general3A_26, %add3A : vector<128x16xf32>
    %slice3A_128 = vector.extract_strided_slice %dot_general3A_125 {offsets = [1, 0], sizes = [1, 16], strides = [1, 1]} : vector<16x16xf32> to vector<1x16xf32>
    %add3A_129 = vector.broadcast %slice3A_128 : vector<1x16xf32> to vector<128x16xf32>
    %add3A_130 = arith.addf %dot_general3A_32, %add3A_129 : vector<128x16xf32>
    %slice3A_131 = vector.extract_strided_slice %dot_general3A_125 {offsets = [2, 0], sizes = [1, 16], strides = [1, 1]} : vector<16x16xf32> to vector<1x16xf32>
    %add3A_132 = vector.broadcast %slice3A_131 : vector<1x16xf32> to vector<128x16xf32>
    %add3A_133 = arith.addf %dot_general3A_38, %add3A_132 : vector<128x16xf32>
    %slice3A_134 = vector.extract_strided_slice %dot_general3A_125 {offsets = [3, 0], sizes = [1, 16], strides = [1, 1]} : vector<16x16xf32> to vector<1x16xf32>
    %add3A_135 = vector.broadcast %slice3A_134 : vector<1x16xf32> to vector<128x16xf32>
    %add3A_136 = arith.addf %dot_general3A_44, %add3A_135 : vector<128x16xf32>
    %slice3A_137 = vector.extract_strided_slice %dot_general3A_125 {offsets = [4, 0], sizes = [1, 16], strides = [1, 1]} : vector<16x16xf32> to vector<1x16xf32>
    %add3A_138 = vector.broadcast %slice3A_137 : vector<1x16xf32> to vector<128x16xf32>
    %add3A_139 = arith.addf %dot_general3A_50, %add3A_138 : vector<128x16xf32>
    %slice3A_140 = vector.extract_strided_slice %dot_general3A_125 {offsets = [5, 0], sizes = [1, 16], strides = [1, 1]} : vector<16x16xf32> to vector<1x16xf32>
    %add3A_141 = vector.broadcast %slice3A_140 : vector<1x16xf32> to vector<128x16xf32>
    %add3A_142 = arith.addf %dot_general3A_56, %add3A_141 : vector<128x16xf32>
    %slice3A_143 = vector.extract_strided_slice %dot_general3A_125 {offsets = [6, 0], sizes = [1, 16], strides = [1, 1]} : vector<16x16xf32> to vector<1x16xf32>
    %add3A_144 = vector.broadcast %slice3A_143 : vector<1x16xf32> to vector<128x16xf32>
    %add3A_145 = arith.addf %dot_general3A_62, %add3A_144 : vector<128x16xf32>
    %slice3A_146 = vector.extract_strided_slice %dot_general3A_125 {offsets = [7, 0], sizes = [1, 16], strides = [1, 1]} : vector<16x16xf32> to vector<1x16xf32>
    %add3A_147 = vector.broadcast %slice3A_146 : vector<1x16xf32> to vector<128x16xf32>
    %add3A_148 = arith.addf %dot_general3A_68, %add3A_147 : vector<128x16xf32>
    %slice3A_149 = vector.extract_strided_slice %dot_general3A_125 {offsets = [8, 0], sizes = [1, 16], strides = [1, 1]} : vector<16x16xf32> to vector<1x16xf32>
    %add3A_150 = vector.broadcast %slice3A_149 : vector<1x16xf32> to vector<128x16xf32>
    %add3A_151 = arith.addf %dot_general3A_74, %add3A_150 : vector<128x16xf32>
    %slice3A_152 = vector.extract_strided_slice %dot_general3A_125 {offsets = [9, 0], sizes = [1, 16], strides = [1, 1]} : vector<16x16xf32> to vector<1x16xf32>
    %add3A_153 = vector.broadcast %slice3A_152 : vector<1x16xf32> to vector<128x16xf32>
    %add3A_154 = arith.addf %dot_general3A_80, %add3A_153 : vector<128x16xf32>
    %slice3A_155 = vector.extract_strided_slice %dot_general3A_125 {offsets = [10, 0], sizes = [1, 16], strides = [1, 1]} : vector<16x16xf32> to vector<1x16xf32>
    %add3A_156 = vector.broadcast %slice3A_155 : vector<1x16xf32> to vector<128x16xf32>
    %add3A_157 = arith.addf %dot_general3A_86, %add3A_156 : vector<128x16xf32>
    %slice3A_158 = vector.extract_strided_slice %dot_general3A_125 {offsets = [11, 0], sizes = [1, 16], strides = [1, 1]} : vector<16x16xf32> to vector<1x16xf32>
    %add3A_159 = vector.broadcast %slice3A_158 : vector<1x16xf32> to vector<128x16xf32>
    %add3A_160 = arith.addf %dot_general3A_92, %add3A_159 : vector<128x16xf32>
    %slice3A_161 = vector.extract_strided_slice %dot_general3A_125 {offsets = [12, 0], sizes = [1, 16], strides = [1, 1]} : vector<16x16xf32> to vector<1x16xf32>
    %add3A_162 = vector.broadcast %slice3A_161 : vector<1x16xf32> to vector<128x16xf32>
    %add3A_163 = arith.addf %dot_general3A_98, %add3A_162 : vector<128x16xf32>
    %slice3A_164 = vector.extract_strided_slice %dot_general3A_125 {offsets = [13, 0], sizes = [1, 16], strides = [1, 1]} : vector<16x16xf32> to vector<1x16xf32>
    %add3A_165 = vector.broadcast %slice3A_164 : vector<1x16xf32> to vector<128x16xf32>
    %add3A_166 = arith.addf %dot_general3A_104, %add3A_165 : vector<128x16xf32>
    %slice3A_167 = vector.extract_strided_slice %dot_general3A_125 {offsets = [14, 0], sizes = [1, 16], strides = [1, 1]} : vector<16x16xf32> to vector<1x16xf32>
    %add3A_168 = vector.broadcast %slice3A_167 : vector<1x16xf32> to vector<128x16xf32>
    %add3A_169 = arith.addf %dot_general3A_110, %add3A_168 : vector<128x16xf32>
    %slice3A_170 = vector.extract_strided_slice %dot_general3A_125 {offsets = [15, 0], sizes = [1, 16], strides = [1, 1]} : vector<16x16xf32> to vector<1x16xf32>
    %add3A_171 = vector.broadcast %slice3A_170 : vector<1x16xf32> to vector<128x16xf32>
    %add3A_172 = arith.addf %dot_general3A_116, %add3A_171 : vector<128x16xf32>
    %concatenate3A_173 = tpu.concatenate %add3A_127, %add3A_130, %add3A_133, %add3A_136, %add3A_139, %add3A_142, %add3A_145, %add3A_148, %add3A_151, %add3A_154, %add3A_157, %add3A_160, %add3A_163, %add3A_166, %add3A_169, %add3A_172 in 0 : vector<128x16xf32>, vector<128x16xf32>, vector<128x16xf32>, vector<128x16xf32>, vector<128x16xf32>, vector<128x16xf32>, vector<128x16xf32>, vector<128x16xf32>, vector<128x16xf32>, vector<128x16xf32>, vector<128x16xf32>, vector<128x16xf32>, vector<128x16xf32>, vector<128x16xf32>, vector<128x16xf32>, vector<128x16xf32> -> vector<2048x16xf32>
    %reduce_sum3A_174 = arith.constant dense<0.000000e+00> : vector<16xf32>
    %reduce_sum3A_175 = vector.multi_reduction <add>, %convert_element_type3A_20, %reduce_sum3A_174 [0] : vector<2048x16xf32> to vector<16xf32>
    %broadcast_in_dim3A_176 = vector.shape_cast %reduce_sum3A_175 : vector<16xf32> to vector<1x16xf32>
    %div3A_177 = arith.constant 2.560000e+02 : f32
    %div3A_178 = vector.broadcast %div3A_177 : f32 to vector<1x16xf32>
    %div3A_179 = arith.divf %broadcast_in_dim3A_176, %div3A_178 : vector<1x16xf32>
    %ceil3A = math.ceil %div3A_179 : vector<1x16xf32>
    %iota3A_180 = tpu.iota {dimensions = array<i32: 0>} : vector<16x16xi32>
    %iota3A_181 = tpu.iota {dimensions = array<i32: 1>} : vector<16x16xi32>
    %lt3A_182 = arith.cmpi slt, %iota3A_180, %iota3A_181 : vector<16x16xi32>
    %convert_element_type3A_183 = arith.extui %lt3A_182 : vector<16x16xi1> to vector<16x16xi32>
    %convert_element_type3A_184 = arith.sitofp %convert_element_type3A_183 : vector<16x16xi32> to vector<16x16xf32>
    %dot_general3A_185 = arith.constant dense<0.000000e+00> : vector<1x16xf32>
    %dot_general3A_186 = tpu.matmul %ceil3A, %convert_element_type3A_184, %dot_general3A_185 {dimension_numbers = #tpu.dot_dimension_numbers<[1], [0], [0], [1], [0, 0, 1, 1], [], []>, precision = #tpu.contract_precision<fp32>, transpose_lhs_hint = false} : vector<1x16xf32>, vector<16x16xf32>, vector<1x16xf32> -> vector<1x16xf32>
    %mul3A = arith.constant 2.560000e+02 : f32
    %mul3A_187 = vector.broadcast %mul3A : f32 to vector<1x16xf32>
    %mul3A_188 = arith.mulf %dot_general3A_186, %mul3A_187 : vector<1x16xf32>
    %add3A_189 = vector.broadcast %mul3A_188 : vector<1x16xf32> to vector<2048x16xf32>
    %add3A_190 = arith.addf %add3A_189, %concatenate3A_173 : vector<2048x16xf32>
    %sub3A_191 = arith.constant 1.000000e+00 : f32
    %sub3A_192 = vector.broadcast %sub3A_191 : f32 to vector<2048x16xf32>
    %sub3A_193 = arith.subf %add3A_190, %sub3A_192 : vector<2048x16xf32>
    %mul3A_194 = arith.mulf %convert_element_type3A_20, %sub3A_193 : vector<2048x16xf32>
    %reduce_sum3A_195 = arith.constant dense<0.000000e+00> : vector<2048xf32>
    %reduce_sum3A_196 = vector.multi_reduction <add>, %mul3A_194, %reduce_sum3A_195 [1] : vector<2048x16xf32> to vector<2048xf32>
    %broadcast_in_dim3A_197 = vector.shape_cast %reduce_sum3A_196 : vector<2048xf32> to vector<2048x1xf32>
    %slice3A_198 = vector.extract_strided_slice %broadcast_in_dim3A_197 {offsets = [0, 0], sizes = [128, 1], strides = [1, 1]} : vector<2048x1xf32> to vector<128x1xf32>
    %slice3A_199 = vector.extract_strided_slice %broadcast_in_dim3A_197 {offsets = [128, 0], sizes = [128, 1], strides = [1, 1]} : vector<2048x1xf32> to vector<128x1xf32>
    %slice3A_200 = vector.extract_strided_slice %broadcast_in_dim3A_197 {offsets = [256, 0], sizes = [128, 1], strides = [1, 1]} : vector<2048x1xf32> to vector<128x1xf32>
    %slice3A_201 = vector.extract_strided_slice %broadcast_in_dim3A_197 {offsets = [384, 0], sizes = [128, 1], strides = [1, 1]} : vector<2048x1xf32> to vector<128x1xf32>
    %slice3A_202 = vector.extract_strided_slice %broadcast_in_dim3A_197 {offsets = [512, 0], sizes = [128, 1], strides = [1, 1]} : vector<2048x1xf32> to vector<128x1xf32>
    %slice3A_203 = vector.extract_strided_slice %broadcast_in_dim3A_197 {offsets = [640, 0], sizes = [128, 1], strides = [1, 1]} : vector<2048x1xf32> to vector<128x1xf32>
    %slice3A_204 = vector.extract_strided_slice %broadcast_in_dim3A_197 {offsets = [768, 0], sizes = [128, 1], strides = [1, 1]} : vector<2048x1xf32> to vector<128x1xf32>
    %slice3A_205 = vector.extract_strided_slice %broadcast_in_dim3A_197 {offsets = [896, 0], sizes = [128, 1], strides = [1, 1]} : vector<2048x1xf32> to vector<128x1xf32>
    %slice3A_206 = vector.extract_strided_slice %broadcast_in_dim3A_197 {offsets = [1024, 0], sizes = [128, 1], strides = [1, 1]} : vector<2048x1xf32> to vector<128x1xf32>
    %slice3A_207 = vector.extract_strided_slice %broadcast_in_dim3A_197 {offsets = [1152, 0], sizes = [128, 1], strides = [1, 1]} : vector<2048x1xf32> to vector<128x1xf32>
    %slice3A_208 = vector.extract_strided_slice %broadcast_in_dim3A_197 {offsets = [1280, 0], sizes = [128, 1], strides = [1, 1]} : vector<2048x1xf32> to vector<128x1xf32>
    %slice3A_209 = vector.extract_strided_slice %broadcast_in_dim3A_197 {offsets = [1408, 0], sizes = [128, 1], strides = [1, 1]} : vector<2048x1xf32> to vector<128x1xf32>
    %slice3A_210 = vector.extract_strided_slice %broadcast_in_dim3A_197 {offsets = [1536, 0], sizes = [128, 1], strides = [1, 1]} : vector<2048x1xf32> to vector<128x1xf32>
    %slice3A_211 = vector.extract_strided_slice %broadcast_in_dim3A_197 {offsets = [1664, 0], sizes = [128, 1], strides = [1, 1]} : vector<2048x1xf32> to vector<128x1xf32>
    %slice3A_212 = vector.extract_strided_slice %broadcast_in_dim3A_197 {offsets = [1792, 0], sizes = [128, 1], strides = [1, 1]} : vector<2048x1xf32> to vector<128x1xf32>
    %slice3A_213 = vector.extract_strided_slice %broadcast_in_dim3A_197 {offsets = [1920, 0], sizes = [128, 1], strides = [1, 1]} : vector<2048x1xf32> to vector<128x1xf32>
    %concatenate3A_214 = tpu.concatenate %slice3A_198, %slice3A_199, %slice3A_200, %slice3A_201, %slice3A_202, %slice3A_203, %slice3A_204, %slice3A_205, %slice3A_206, %slice3A_207, %slice3A_208, %slice3A_209, %slice3A_210, %slice3A_211, %slice3A_212, %slice3A_213 in 1 : vector<128x1xf32>, vector<128x1xf32>, vector<128x1xf32>, vector<128x1xf32>, vector<128x1xf32>, vector<128x1xf32>, vector<128x1xf32>, vector<128x1xf32>, vector<128x1xf32>, vector<128x1xf32>, vector<128x1xf32>, vector<128x1xf32>, vector<128x1xf32>, vector<128x1xf32>, vector<128x1xf32>, vector<128x1xf32> -> vector<128x16xf32>
    %eq3A_215 = arith.cmpi eq, %iota3A_21, %iota3A_22 : vector<128x128xi32>
    %convert_element_type3A_216 = arith.extui %eq3A_215 : vector<128x128xi1> to vector<128x128xi32>
    %convert_element_type3A_217 = arith.sitofp %convert_element_type3A_216 : vector<128x128xi32> to vector<128x128xf32>
    %dot_general3A_218 = arith.constant dense<0.000000e+00> : vector<16x128xf32>
    %dot_general3A_219 = tpu.matmul %concatenate3A_214, %convert_element_type3A_217, %dot_general3A_218 {dimension_numbers = #tpu.dot_dimension_numbers<[0], [0], [1], [1], [0, 1, 1, 1], [], []>, precision = #tpu.contract_precision<fp32>, transpose_lhs_hint = false} : vector<128x16xf32>, vector<128x128xf32>, vector<16x128xf32> -> vector<16x128xf32>
    %convert_element_type3A_220 = arith.fptosi %dot_general3A_219 : vector<16x128xf32> to vector<16x128xi32>
    %swap3A = arith.constant 0 : index
    %swap3A_221 = arith.constant 0 : index
    %swap3A_222 = vector.load %arg2[%swap3A, %swap3A_221] : memref<16x128xi32, #tpu.memory_space<vmem>>, vector<16x128xi32>
    tpu.vector_store %arg2[%swap3A, %swap3A_221], %convert_element_type3A_220 {strides = array<i32>} : memref<16x128xi32, #tpu.memory_space<vmem>>, vector<16x128xi32>,
    %broadcast_in_dim3A_223 = vector.shape_cast %broadcast_in_dim3A_13 : vector<2048x1xf32> to vector<2048x1xf32>
    %broadcast_in_dim3A_224 = vector.broadcast %broadcast_in_dim3A_223 : vector<2048x1xf32> to vector<2048x128xf32>
    %swap3A_225 = arith.constant 0 : index
    %swap3A_226 = arith.constant 0 : index
    %swap3A_227 = vector.load %arg3[%swap3A_225, %swap3A_226] : memref<2048x128xf32, #tpu.memory_space<vmem>>, vector<2048x128xf32>
    tpu.vector_store %arg3[%swap3A_225, %swap3A_226], %broadcast_in_dim3A_224 {strides = array<i32>} : memref<2048x128xf32, #tpu.memory_space<vmem>>, vector<2048x128xf32>,
    %add3A_228 = arith.addf %dot_general3A_186, %ceil3A : vector<1x16xf32>
    %iota3A_229 = tpu.iota {dimensions = array<i32: 0>} : vector<24x16xi32>
    %convert_element_type3A_230 = arith.sitofp %iota3A_229 : vector<24x16xi32> to vector<24x16xf32>
    %ge3A_231 = vector.broadcast %add3A_228 : vector<1x16xf32> to vector<24x16xf32>
    %ge3A_232 = arith.cmpf oge, %convert_element_type3A_230, %ge3A_231 : vector<24x16xf32>
    %convert_element_type3A_233 = arith.extui %ge3A_232 : vector<24x16xi1> to vector<24x16xi32>
    %convert_element_type3A_234 = arith.sitofp %convert_element_type3A_233 : vector<24x16xi32> to vector<24x16xf32>
    %reduce_sum3A_235 = arith.constant dense<0.000000e+00> : vector<24xf32>
    %reduce_sum3A_236 = vector.multi_reduction <add>, %convert_element_type3A_234, %reduce_sum3A_235 [1] : vector<24x16xf32> to vector<24xf32>
    %broadcast_in_dim3A_237 = vector.shape_cast %reduce_sum3A_236 : vector<24xf32> to vector<24x1xf32>
    %reduce_sum3A_238 = vector.shape_cast %ceil3A : vector<1x16xf32> to vector<1x1x16xf32>
    %reduce_sum3A_239 = arith.constant dense<0.000000e+00> : vector<1xf32>
    %reduce_sum3A_240 = vector.multi_reduction <add>, %reduce_sum3A_238, %reduce_sum3A_239 [1, 2] : vector<1x1x16xf32> to vector<1xf32>
    %reduce_sum3A_241 = vector.shape_cast %reduce_sum3A_240 : vector<1xf32> to vector<1x1x1xf32>
    %reduce_sum3A_242 = vector.extract %reduce_sum3A_241[0, 0, 0] : f32 from vector<1x1x1xf32>
    %iota3A_243 = tpu.iota {dimensions = array<i32: 0>} : vector<24x1xi32>
    %convert_element_type3A_244 = arith.sitofp %iota3A_243 : vector<24x1xi32> to vector<24x1xf32>
    %sub3A_245 = arith.constant 1.000000e+00 : f32
    %sub3A_246 = arith.subf %reduce_sum3A_242, %sub3A_245 : f32
    %eq3A_247 = vector.broadcast %sub3A_246 : f32 to vector<24x1xf32>
    %eq3A_248 = arith.cmpf oeq, %convert_element_type3A_244, %eq3A_247 : vector<24x1xf32>
    %jit3A_249 = arith.constant 0.000000e+00 : f32
    %broadcast_in_dim3A_250 = vector.broadcast %jit3A_249 : f32 to vector<24x1xf32>
    %select_n3A_251 = arith.select %eq3A_248, %broadcast_in_dim3A_237, %broadcast_in_dim3A_250 : vector<24x1xi1>, vector<24x1xf32>
    %reduce_sum3A_252 = vector.shape_cast %select_n3A_251 : vector<24x1xf32> to vector<1x24x1xf32>
    %reduce_sum3A_253 = arith.constant dense<0.000000e+00> : vector<1xf32>
    %reduce_sum3A_254 = vector.multi_reduction <add>, %reduce_sum3A_252, %reduce_sum3A_253 [1, 2] : vector<1x24x1xf32> to vector<1xf32>
    %reduce_sum3A_255 = vector.shape_cast %reduce_sum3A_254 : vector<1xf32> to vector<1x1x1xf32>
    %reduce_sum3A_256 = vector.extract %reduce_sum3A_255[0, 0, 0] : f32 from vector<1x1x1xf32>
    %min3A = vector.broadcast %reduce_sum3A_256 : f32 to vector<24x1xf32>
    %min3A_257 = arith.minimumf %broadcast_in_dim3A_237, %min3A : vector<24x1xf32>
    %lt3A_258 = vector.broadcast %reduce_sum3A_242 : f32 to vector<24x1xf32>
    %lt3A_259 = arith.cmpf olt, %convert_element_type3A_244, %lt3A_258 : vector<24x1xf32>
    %convert_element_type3A_260 = arith.extui %lt3A_259 : vector<24x1xi1> to vector<24x1xi32>
    %convert_element_type3A_261 = arith.sitofp %convert_element_type3A_260 : vector<24x1xi32> to vector<24x1xf32>
    %sub3A_262 = arith.constant 1.000000e+00 : f32
    %sub3A_263 = arith.subf %reduce_sum3A_242, %sub3A_262 : f32
    %min3A_264 = vector.broadcast %sub3A_263 : f32 to vector<24x1xf32>
    %min3A_265 = arith.minimumf %convert_element_type3A_244, %min3A_264 : vector<24x1xf32>
    %concatenate3A_266 = tpu.concatenate %min3A_257, %convert_element_type3A_261, %min3A_265 in 1 : vector<24x1xf32>, vector<24x1xf32>, vector<24x1xf32> -> vector<24x3xf32>
    %iota3A_267 = tpu.iota {dimensions = array<i32: 0>} : vector<24x24xi32>
    %iota3A_268 = tpu.iota {dimensions = array<i32: 1>} : vector<24x24xi32>
    %eq3A_269 = arith.cmpi eq, %iota3A_267, %iota3A_268 : vector<24x24xi32>
    %convert_element_type3A_270 = arith.extui %eq3A_269 : vector<24x24xi1> to vector<24x24xi32>
    %convert_element_type3A_271 = arith.sitofp %convert_element_type3A_270 : vector<24x24xi32> to vector<24x24xf32>
    %dot_general3A_272 = arith.constant dense<0.000000e+00> : vector<3x24xf32>
    %dot_general3A_273 = tpu.matmul %concatenate3A_266, %convert_element_type3A_271, %dot_general3A_272 {dimension_numbers = #tpu.dot_dimension_numbers<[0], [0], [1], [1], [0, 1, 1, 1], [], []>, precision = #tpu.contract_precision<fp32>, transpose_lhs_hint = false} : vector<24x3xf32>, vector<24x24xf32>, vector<3x24xf32> -> vector<3x24xf32>
    %convert_element_type3A_274 = arith.fptosi %dot_general3A_273 : vector<3x24xf32> to vector<3x24xi32>
    %swap3A_275 = arith.constant 0 : index
    %swap3A_276 = arith.constant 0 : index
    %swap3A_277 = vector.load %arg4[%swap3A_275, %swap3A_276] : memref<3x24xi32, #tpu.memory_space<vmem>>, vector<3x24xi32>
    tpu.vector_store %arg4[%swap3A_275, %swap3A_276], %convert_element_type3A_274 {strides = array<i32>} : memref<3x24xi32, #tpu.memory_space<vmem>>, vector<3x24xi32>,
    %reduce_sum3A_278 = arith.constant dense<0.000000e+00> : vector<16xf32>
    %reduce_sum3A_279 = vector.multi_reduction <add>, %div3A_10, %reduce_sum3A_278 [0] : vector<2048x16xf32> to vector<16xf32>
    %broadcast_in_dim3A_280 = vector.shape_cast %reduce_sum3A_279 : vector<16xf32> to vector<1x16xf32>
    %div3A_281 = arith.constant 2.048000e+03 : f32
    %div3A_282 = vector.broadcast %div3A_281 : f32 to vector<1x16xf32>
    %div3A_283 = arith.divf %broadcast_in_dim3A_280, %div3A_282 : vector<1x16xf32>
    %div3A_284 = arith.constant 2.048000e+03 : f32
    %div3A_285 = vector.broadcast %div3A_284 : f32 to vector<1x16xf32>
    %div3A_286 = arith.divf %broadcast_in_dim3A_176, %div3A_285 : vector<1x16xf32>
    %mul3A_287 = arith.mulf %div3A_283, %div3A_286 : vector<1x16xf32>
    %reduce_sum3A_288 = arith.constant dense<0.000000e+00> : vector<1xf32>
    %reduce_sum3A_289 = vector.multi_reduction <add>, %mul3A_287, %reduce_sum3A_288 [1] : vector<1x16xf32> to vector<1xf32>
    %broadcast_in_dim3A_290 = vector.shape_cast %reduce_sum3A_289 : vector<1xf32> to vector<1x1xf32>
    %mul3A_291 = arith.constant 1.600000e-01 : f32
    %mul3A_292 = vector.broadcast %mul3A_291 : f32 to vector<1x1xf32>
    %mul3A_293 = arith.mulf %mul3A_292, %broadcast_in_dim3A_290 : vector<1x1xf32>
    %swap3A_294 = arith.constant 0 : index
    %swap3A_295 = arith.constant 0 : index
    %swap3A_296 = vector.load %arg5[%swap3A_294, %swap3A_295] : memref<1x1xf32, #tpu.memory_space<vmem>>, vector<1x1xf32>
    tpu.vector_store %arg5[%swap3A_294, %swap3A_295], %mul3A_293 {strides = array<i32>} : memref<1x1xf32, #tpu.memory_space<vmem>>, vector<1x1xf32>,
    return
  }
}

module attributes {stable_mosaic.version = 14 : i64} {
  func.func @_ffn_body(%arg0: i32, %arg1: memref<3x24xi32, #tpu.memory_space<smem>>, %arg2: memref<256x768xf32, #tpu.memory_space<vmem>>, %arg3: memref<1x2048x768xf32, #tpu.memory_space<vmem>>, %arg4: memref<16x2048xf32, #tpu.memory_space<vmem>>, %arg5: memref<1x768x2048xf32, #tpu.memory_space<vmem>>, %arg6: memref<16x768xf32, #tpu.memory_space<vmem>>, %arg7: memref<256x128xf32, #tpu.memory_space<vmem>>, %arg8: memref<256x768xf32, #tpu.memory_space<vmem>>) attributes {dimension_semantics = [#tpu.dimension_semantics<arbitrary>], iteration_bounds = array<i64: 24>, scalar_prefetch = 1 : i64, scratch_operands = 0 : i64, tpu.core_type = #tpu.core_type<tc>, window_params = [{transform_indices = @transform_0, window_bounds = array<i64: 256, 768>}, {transform_indices = @transform_1, window_bounds = array<i64: 1, 2048, 768>}, {pipeline_mode = #tpu.pipeline_mode<synchronous>, transform_indices = @transform_2, window_bounds = array<i64: 16, 2048>}, {transform_indices = @transform_3, window_bounds = array<i64: 1, 768, 2048>}, {pipeline_mode = #tpu.pipeline_mode<synchronous>, transform_indices = @transform_4, window_bounds = array<i64: 16, 768>}, {transform_indices = @transform_5, window_bounds = array<i64: 256, 128>}, {transform_indices = @transform_6, window_bounds = array<i64: 256, 768>}]} {
    %get3A = arith.constant 1 : index
    %get3A_0 = arith.index_cast %arg0 : i32 to index
    %get3A_1 = memref.load %arg1[%get3A, %get3A_0] : memref<3x24xi32, #tpu.memory_space<smem>>
    %ne3A = arith.constant 0 : i32
    %ne3A_2 = arith.cmpi ne, %get3A_1, %ne3A : i32
    %convert_element_type3A = arith.extui %ne3A_2 : i1 to i32
    %cond3A = arith.constant 0 : i32
    %cond3A_3 = arith.cmpi ne, %convert_element_type3A, %cond3A : i32
    scf.if %cond3A_3 {
      %get3A_4 = arith.constant 0 : index
      %get3A_5 = arith.index_cast %arg0 : i32 to index
      %get3A_6 = memref.load %arg1[%get3A_4, %get3A_5] : memref<3x24xi32, #tpu.memory_space<smem>>
      %get3A_7 = arith.constant 0 : index
      %get3A_8 = arith.constant 0 : index
      %get3A_9 = vector.load %arg2[%get3A_7, %get3A_8] : memref<256x768xf32, #tpu.memory_space<vmem>>, vector<256x768xf32>
      %get3A_10 = arith.constant 0 : index
      %get3A_11 = arith.constant 0 : index
      %get3A_12 = arith.constant 0 : index
      %get3A_13 = vector.load %arg3[%get3A_10, %get3A_11, %get3A_12] : memref<1x2048x768xf32, #tpu.memory_space<vmem>>, vector<1x2048x768xf32>
      %get3A_14 = vector.shape_cast %get3A_13 : vector<1x2048x768xf32> to vector<2048x768xf32>
      %dot_general3A = arith.constant dense<0.000000e+00> : vector<256x2048xf32>
      %dot_general3A_15 = tpu.matmul %get3A_9, %get3A_14, %dot_general3A {dimension_numbers = #tpu.dot_dimension_numbers<[1], [1], [0], [0], [0, 0, 1, 0], [], []>, transpose_lhs_hint = false} : vector<256x768xf32>, vector<2048x768xf32>, vector<256x2048xf32> -> vector<256x2048xf32>
      %get3A_16 = arith.index_cast %get3A_6 : i32 to index
      %get3A_17 = arith.constant 0 : index
      %get3A_18 = vector.load %arg4[%get3A_16, %get3A_17] : memref<16x2048xf32, #tpu.memory_space<vmem>>, vector<1x2048xf32>
      %add3A = vector.broadcast %get3A_18 : vector<1x2048xf32> to vector<256x2048xf32>
      %add3A_19 = arith.addf %dot_general3A_15, %add3A : vector<256x2048xf32>
      %mul3A = arith.constant 5.000000e-01 : f32
      %mul3A_20 = vector.broadcast %mul3A : f32 to vector<256x2048xf32>
      %mul3A_21 = arith.mulf %mul3A_20, %add3A_19 : vector<256x2048xf32>
      %sqrt3A = arith.constant 2.000000e+00 : f32
      %sqrt3A_22 = math.sqrt %sqrt3A : f32
      %div3A = vector.broadcast %sqrt3A_22 : f32 to vector<256x2048xf32>
      %div3A_23 = arith.divf %add3A_19, %div3A : vector<256x2048xf32>
      %erf3A = math.erf %div3A_23 : vector<256x2048xf32>
      %add3A_24 = arith.constant 1.000000e+00 : f32
      %add3A_25 = vector.broadcast %add3A_24 : f32 to vector<256x2048xf32>
      %add3A_26 = arith.addf %add3A_25, %erf3A : vector<256x2048xf32>
      %mul3A_27 = arith.mulf %mul3A_21, %add3A_26 : vector<256x2048xf32>
      %get3A_28 = arith.constant 0 : index
      %get3A_29 = arith.constant 0 : index
      %get3A_30 = arith.constant 0 : index
      %get3A_31 = vector.load %arg5[%get3A_28, %get3A_29, %get3A_30] : memref<1x768x2048xf32, #tpu.memory_space<vmem>>, vector<1x768x2048xf32>
      %get3A_32 = vector.shape_cast %get3A_31 : vector<1x768x2048xf32> to vector<768x2048xf32>
      %dot_general3A_33 = arith.constant dense<0.000000e+00> : vector<256x768xf32>
      %dot_general3A_34 = tpu.matmul %mul3A_27, %get3A_32, %dot_general3A_33 {dimension_numbers = #tpu.dot_dimension_numbers<[1], [1], [0], [0], [0, 0, 1, 0], [], []>, transpose_lhs_hint = false} : vector<256x2048xf32>, vector<768x2048xf32>, vector<256x768xf32> -> vector<256x768xf32>
      %get3A_35 = arith.index_cast %get3A_6 : i32 to index
      %get3A_36 = arith.constant 0 : index
      %get3A_37 = vector.load %arg6[%get3A_35, %get3A_36] : memref<16x768xf32, #tpu.memory_space<vmem>>, vector<1x768xf32>
      %add3A_38 = vector.broadcast %get3A_37 : vector<1x768xf32> to vector<256x768xf32>
      %add3A_39 = arith.addf %dot_general3A_34, %add3A_38 : vector<256x768xf32>
      %get3A_40 = arith.constant 0 : index
      %get3A_41 = arith.constant 0 : index
      %get3A_42 = vector.load %arg7[%get3A_40, %get3A_41] : memref<256x128xf32, #tpu.memory_space<vmem>>, vector<256x128xf32>
      %slice3A = vector.extract_strided_slice %get3A_42 {offsets = [0, 0], sizes = [256, 1], strides = [1, 1]} : vector<256x128xf32> to vector<256x1xf32>
      %mul3A_43 = vector.broadcast %slice3A : vector<256x1xf32> to vector<256x768xf32>
      %mul3A_44 = arith.mulf %add3A_39, %mul3A_43 : vector<256x768xf32>
      %swap3A = arith.constant 0 : index
      %swap3A_45 = arith.constant 0 : index
      %swap3A_46 = vector.load %arg8[%swap3A, %swap3A_45] : memref<256x768xf32, #tpu.memory_space<vmem>>, vector<256x768xf32>
      tpu.vector_store %arg8[%swap3A, %swap3A_45], %mul3A_44 {strides = array<i32>} : memref<256x768xf32, #tpu.memory_space<vmem>>, vector<256x768xf32>,
    } else {
    }
    return
  }
  func.func @transform_0(%arg0: i32, %arg1: memref<3x24xi32, #tpu.memory_space<smem>>) -> (i32, i32) {
    %get3A = arith.constant 2 : index
    %get3A_0 = arith.index_cast %arg0 : i32 to index
    %get3A_1 = memref.load %arg1[%get3A, %get3A_0] : memref<3x24xi32, #tpu.memory_space<smem>>
    %c0_i32 = arith.constant 0 : i32
    %c0_i32_2 = arith.constant 0 : i32
    return %get3A_1, %c0_i32 : i32, i32
  }
  func.func @transform_1(%arg0: i32, %arg1: memref<3x24xi32, #tpu.memory_space<smem>>) -> (i32, i32, i32) {
    %get3A = arith.constant 0 : index
    %get3A_0 = arith.index_cast %arg0 : i32 to index
    %get3A_1 = memref.load %arg1[%get3A, %get3A_0] : memref<3x24xi32, #tpu.memory_space<smem>>
    %c0_i32 = arith.constant 0 : i32
    %c0_i32_2 = arith.constant 0 : i32
    %c0_i32_3 = arith.constant 0 : i32
    return %get3A_1, %c0_i32, %c0_i32_2 : i32, i32, i32
  }
  func.func @transform_2(%arg0: i32, %arg1: memref<3x24xi32, #tpu.memory_space<smem>>) -> (i32, i32) {
    %c0_i32 = arith.constant 0 : i32
    %c0_i32_0 = arith.constant 0 : i32
    %c0_i32_1 = arith.constant 0 : i32
    return %c0_i32, %c0_i32_0 : i32, i32
  }
  func.func @transform_3(%arg0: i32, %arg1: memref<3x24xi32, #tpu.memory_space<smem>>) -> (i32, i32, i32) {
    %get3A = arith.constant 0 : index
    %get3A_0 = arith.index_cast %arg0 : i32 to index
    %get3A_1 = memref.load %arg1[%get3A, %get3A_0] : memref<3x24xi32, #tpu.memory_space<smem>>
    %c0_i32 = arith.constant 0 : i32
    %c0_i32_2 = arith.constant 0 : i32
    %c0_i32_3 = arith.constant 0 : i32
    return %get3A_1, %c0_i32, %c0_i32_2 : i32, i32, i32
  }
  func.func @transform_4(%arg0: i32, %arg1: memref<3x24xi32, #tpu.memory_space<smem>>) -> (i32, i32) {
    %c0_i32 = arith.constant 0 : i32
    %c0_i32_0 = arith.constant 0 : i32
    %c0_i32_1 = arith.constant 0 : i32
    return %c0_i32, %c0_i32_0 : i32, i32
  }
  func.func @transform_5(%arg0: i32, %arg1: memref<3x24xi32, #tpu.memory_space<smem>>) -> (i32, i32) {
    %get3A = arith.constant 2 : index
    %get3A_0 = arith.index_cast %arg0 : i32 to index
    %get3A_1 = memref.load %arg1[%get3A, %get3A_0] : memref<3x24xi32, #tpu.memory_space<smem>>
    %c0_i32 = arith.constant 0 : i32
    %c0_i32_2 = arith.constant 0 : i32
    return %get3A_1, %c0_i32 : i32, i32
  }
  func.func @transform_6(%arg0: i32, %arg1: memref<3x24xi32, #tpu.memory_space<smem>>) -> (i32, i32) {
    %get3A = arith.constant 2 : index
    %get3A_0 = arith.index_cast %arg0 : i32 to index
    %get3A_1 = memref.load %arg1[%get3A, %get3A_0] : memref<3x24xi32, #tpu.memory_space<smem>>
    %c0_i32 = arith.constant 0 : i32
    %c0_i32_2 = arith.constant 0 : i32
    return %get3A_1, %c0_i32 : i32, i32
  }
}

</mosaic_0001>

<sc_bundles>
// kernel: kernel.6.cloned.1.call-start
scs
__scs_entry_jumppad:
0x0: {  	(pc) =	sbr.rel $0x88, $3  }
0x1: {  	(tag) =	ssettag $0x0;
	lr =	simm.s32 $0x1  }
0x2: {  	[smem:$0x3F9B] =	sst lr;
	_ =	strace $0xD0000000  }
0x3: {  	_ = 	snop  }
0x4: {  	_ = 	snop  }
0x5: {  	_ = 	snop  }
0x6: {  	_ = 	snop  }
0x7: {  	_ = 	snop  }
__scs_overlays_trampoline_lowered:
0x8: {  	[smem:$0x3FAA] =	sst s0  }
0x9: {  	[smem:$0x3FAB] =	sst s1  }
0xa: {  	[smem:$0x3FAC] =	sst s2  }
0xb: {  	[smem:$0x3FAD] =	sst s3  }
0xc: {  	[smem:$0x3FAE] =	sst s4  }
0xd: {  	[smem:$0x3FAF] =	sst s5  }
0xe: {  	[smem:$0x3FB0] =	sst s6  }
0xf: {  	[smem:$0x3FB1] =	sst s7  }
0x10: {  	[smem:$0x3FB2] =	sst s8  }
0x11: {  	[smem:$0x3FB3] =	sst s9;
	s0 =	simm.s32 @!p0 $0x0  }
0x12: {  	s1 =	sld [smem:$0x3F99];
	s0 =	simm.s32 @p0 $0x1  }
0x13: {  	[smem:$0x3FB4] =	sst s0;
	s0 =	simm.s32 @!p1 $0x0  }
0x14: {  	s2 =	sld [smem:$0x3F98];
	s0 =	simm.s32 @p1 $0x1  }
0x15: {  	[smem:$0x3FB5] =	sst s0;
	s0 =	simm.s32 @!p2 $0x0  }
0x16: {  	s3 =	sld [smem:$0x3FDB];
	s0 =	simm.s32 @p2 $0x1  }
0x17: {  	s4 =	simm.s32 $0x1BF5;
	[smem:$0x3FB7] =	sst s0  }
0x18: {  	s0 =	sld [smem:$0x3F9A];
	_ =	swait.ge [sflag:s4], $0x0  }
0x19: {  	s7 =	sld [smem:$0x3F9B]  }
0x1a: {  	s8 =	sadd.s32 $0xFFFFE003, lr  }
0x1b: {  	s9 =	sadd.s32 $0xFFFFFEF7, lr;
	s5 =	simm.s32 $0xFFFFFFFF;
	p2 =	slt.u32 s8, $0xFFFFF086  }
0x1c: {  	p1 =	slt.u32 s9, $0xF7A;
	s5 =	simm.s32 @!p2 $0x0  }
0x1d: {  	s5 =	simm.s32 @p1 $0x1;
	p0 =	seq.s32 s7, s2  }
0x1e: {  	s7 =	smul.u32 @!p0 $0xF7A, s2;
	p2 =	seq.s32 @!p0 s5, $0x0  }
0x1f: {  	s9 =	smul.u32 $0xF7A, s1;
	s8 =	simm.s32 @!p0 $0x1BF5;
	p2 =	por !p2, p0  }
0x20: {  	[sflag:s8] =	ssyncset.s32 @!p0 $0xFFFFF086;
	s6 =	sadd.s32 @!p0 s3, s7;
	s7 =	simm.s32 @!p0 $0x108  }
0x21: {  	s3 =	sadd.s32 s3, s9;
	s6 =	sadd.s32 @!p0 $0x88, s6;
	s7 =	simm.s32 @p2 $0x1082  }
0x22: {  	[simem:s7], [sflag:s8] =	dma.local @!p0 [hbm:s6], $0xF7A  }
0x23: {  	s9 =	sor.u32 $0xD0000000, s2;
	s6 =	simm.s32 $0x108;
	_ =	swait.ge @!p0 [sflag:s8], $0x0  }
0x24: {  	s3 =	sadd.s32 $0x88, s3;
	s6 =	simm.s32 @!p1 $0x1082;
	[sflag:s4] =	ssyncset.s32 $0xFFFFF086  }
0x25: {  	[simem:s6], [sflag:s4] =	dma.local [hbm:s3], $0xF7A  }
0x26: {  	[smem:$0x3F9B] =	sst s1;
	(tag) =	ssettag s2;
	_ =	strace s9  }
0x27: {  	s1 =	sld [smem:$0x3FAB]  }
0x28: {  	s2 =	sld [smem:$0x3FAC]  }
0x29: {  	s4 =	sld [smem:$0x3FAE]  }
0x2a: {  	p0 =	seq.s32 s5, $0x0;
	s5 =	sld [smem:$0x3FAF]  }
0x2b: {  	s6 =	sld [smem:$0x3FB0]  }
0x2c: {  	s7 =	sld [smem:$0x3FB1]  }
0x2d: {  	s3 =	simm.s32 $0x108;
	s8 =	sld [smem:$0x3FB2]  }
0x2e: {  	s3 =	simm.s32 @!p0 $0x1082;
	s9 =	sld [smem:$0x3FB3]  }
0x2f: {  	lr =	sadd.s32 s0, s3;
	s0 =	sld [smem:$0x3FAA]  }
0x30: {  	s3 =	sld [smem:$0x3FAD]  }
0x31: {  	[smem:$0x3FB6] =	sst s10  }
0x32: {  	s10 =	sld [smem:$0x3FB4];
	_ =	sdelay $0x3  }
0x33: {  	p0 =	seq.s32 s10, $0x1;
	s10 =	sld [smem:$0x3FB6];
	_ =	sdelay $0x3  }
0x34: {  	[smem:$0x3FB6] =	sst s10  }
0x35: {  	s10 =	sld [smem:$0x3FB5];
	_ =	sdelay $0x3  }
0x36: {  	p1 =	seq.s32 s10, $0x1;
	s10 =	sld [smem:$0x3FB6];
	_ =	sdelay $0x3  }
0x37: {  	[smem:$0x3FB6] =	sst s10  }
0x38: {  	s10 =	sld [smem:$0x3FB7]  }
0x39: {  	_ = 	snop;
	(pc) =	sbr.ind lr, $3  }
0x3a: {  	_ = 	snop  }
0x3b: {  	_ = 	snop  }
0x3c: {  	p2 =	seq.s32 s10, $0x1;
	s10 =	sld [smem:$0x3FB6]  }
0x3d: {  	_ =	shalt  }
0x3e: {  	_ =	shalt  }
0x3f: {  	_ =	shalt  }
0x40: {  	_ =	shalt  }
0x41: {  	_ =	shalt  }
0x42: {  	_ =	shalt  }
0x43: {  	_ =	shalt  }
0x44: {  	_ =	shalt  }
0x45: {  	_ =	shalt  }
0x46: {  	_ =	shalt  }
0x47: {  	_ =	shalt  }
0x48: {  	_ =	shalt  }
0x49: {  	_ =	shalt  }
0x4a: {  	_ =	shalt  }
0x4b: {  	_ =	shalt  }
0x4c: {  	_ =	shalt  }
0x4d: {  	_ =	shalt  }
0x4e: {  	_ =	shalt  }
0x4f: {  	_ =	shalt  }
0x50: {  	_ =	shalt  }
0x51: {  	_ =	shalt  }
0x52: {  	_ =	shalt  }
0x53: {  	_ =	shalt  }
0x54: {  	_ =	shalt  }
0x55: {  	_ =	shalt  }
0x56: {  	_ =	shalt  }
0x57: {  	_ =	shalt  }
0x58: {  	_ =	shalt  }
0x59: {  	_ =	shalt  }
0x5a: {  	_ =	shalt  }
0x5b: {  	_ =	shalt  }
0x5c: {  	_ =	shalt  }
0x5d: {  	_ =	shalt  }
0x5e: {  	_ =	shalt  }
0x5f: {  	_ =	shalt  }
0x60: {  	_ =	shalt  }
0x61: {  	_ =	shalt  }
0x62: {  	_ =	shalt  }
0x63: {  	_ =	shalt  }
0x64: {  	_ =	shalt  }
0x65: {  	_ =	shalt  }
0x66: {  	_ =	shalt  }
0x67: {  	_ =	shalt  }
0x68: {  	_ =	shalt  }
0x69: {  	_ =	shalt  }
0x6a: {  	_ =	shalt  }
0x6b: {  	_ =	shalt  }
0x6c: {  	_ =	shalt  }
0x6d: {  	_ =	shalt  }
0x6e: {  	_ =	shalt  }
0x6f: {  	_ =	shalt  }
0x70: {  	_ =	shalt  }
0x71: {  	_ =	shalt  }
0x72: {  	_ =	shalt  }
0x73: {  	_ =	shalt  }
0x74: {  	_ =	shalt  }
0x75: {  	_ =	shalt  }
0x76: {  	_ =	shalt  }
0x77: {  	_ =	shalt  }
0x78: {  	_ =	shalt  }
0x79: {  	_ =	shalt  }
0x7a: {  	_ =	shalt  }
0x7b: {  	_ =	shalt  }
0x7c: {  	_ =	shalt  }
0x7d: {  	_ =	shalt  }
0x7e: {  	_ =	shalt  }
0x7f: {  	_ =	shalt  }
0x80: {  	_ =	shalt  }
0x81: {  	_ =	shalt  }
0x82: {  	_ =	shalt  }
0x83: {  	_ =	shalt  }
0x84: {  	_ =	shalt  }
0x85: {  	_ =	shalt  }
0x86: {  	_ =	shalt  }
0x87: {  	_ =	shalt  }
.Lfunc_end0:
.L_simem_size_0:
called_computation_lowered:
.L_overlay_start_0:
0x88: {  	s2 =	sld [smem:$0x3FD9]  }
0x89: {  	s3 =	sld [smem:$0x3FFE];
	_ =	sdelay $0x1  }
0x8a: {  	s1 =	srdreg.scid  }
0x8b: {  	s0 =	sand.u32 $0x1, s1  }
0x8c: {  	s14 =	sshll.u32 s0, $0xA;
	s2 =	sadd.s32 s3, s2  }
0x8d: {  	s2 =	sadd.s32 s2, s14  }
0x8e: {  	[smem:$0x3FC2] =	sst s2  }
0x8f: {  	_ = 	snop  }
0x90: {  	s2 =	sld [smem:$0x3FD0];
	_ =	sdelay $0x2  }
0x91: {  	s4 =	simm.s32 $0xA;
	s5 =	simm.s32 $0x10;
	s15 =	sld [smem:$0x3FC9]  }
0x92: {  	[smem:s5], [sflag:s4] =	dma.local [hbm:s2], $0x1  }
0x93: {  	_ =	swait.eq [sflag:s4], $0x1  }
0x94: {  	[sflag:s4] =	ssyncset.done $0x0  }
0x95: {  	[sflag:s4] =	ssyncadd.s32 $0xFFFFFFFF  }
0x96: {  	s16 =	sld [smem:$0x10];
	(tm) =	ssettm $0x1  }
0x97: {  	s17 =	sld [smem:$0x3FFB];
	_ =	sdelay $0x3  }
0x98: {  	_ =	strace s17  }
0x99: {  	s4 =	sld [smem:$0x3FFC];
	_ =	sdelay $0x3  }
0x9a: {  	_ =	strace s4  }
0x9b: {  	s4 =	sld [smem:$0x3FFD];
	_ =	sdelay $0x3  }
0x9c: {  	_ =	strace s4  }
0x9d: {  	_ =	strace $0x8FFFFFFF  }
0x9e: {  	s18 =	sld [smem:$0x3FDB];
	_ =	sdelay $0x1  }
0x9f: {  	s19 =	simm.s32 $_scs_section_size  }
0xa0: {  	s6 =	simm.s32 $_size__tile_overlayer_lowered;
	s7 =	simm.s32 $_tile_overlayer_lowered  }
0xa1: {  	s22 =	simm.s32 $0x1BFF;
	s21 =	sshll.u32 s7, $0x1;
	s4 =	sadd.s32 s19, s18  }
0xa2: {  	s8 =	simm.s32 $0x0;
	s20 =	sshll.u32 s6, $0x1;
	s6 =	sadd.s32 s21, s4  }
0xa3: {  	[timem:s8], [sflag:s22] =	dma.local [hbm:s6], s20  }
0xa4: {  	_ =	swait.ge [sflag:s22], s20  }
0xa5: {  	s5 =	ssub.s32 $0x0, s20;
	[sflag:s22] =	ssyncset.done $0x0  }
0xa6: {  	[sflag:s22] =	ssyncadd.s32 s5;
	_ =	sdelay $0x1  }
0xa7: {  	s23 =	simm.s32 $0x1B8B  }
0xa8: {  	_ =	swait.ge [sflag:s23], $0x1  }
0xa9: {  	[sflag:s23] =	ssyncset.done $0x0  }
0xaa: {  	s25 =	simm.s32 $0x1B8E;
	s24 =	sld [smem:$0x3FFE];
	[sflag:s23] =	ssyncadd.s32 $0xFFFFFFFF  }
0xab: {  	s26 =	simm.s32 $execute0_lowered;
	[smem:$0x3FD2] =	sst s25  }
0xac: {  	s6 =	sshll.u32 s26, $0x1;
	_ =	strace $0x80000046;
	[dreg:$0x1] =	wrdreg $0xFFFFFFFF  }
0xad: {  	s28 =	simm.s32 $_size_execute0_lowered;
	s4 =	sadd.s32 s4, s6;
	[dreg:$0x0] =	wrdreg $0x0  }
0xae: {  	s6 =	sshll.u32 s28, $0x1;
	[dreg:$0x2] =	wrdreg s4  }
0xaf: {  	[dreg:$0x3] =	wrdreg s6  }
0xb0: {  	[dreg:$0x4] =	wrdreg $0xC0  }
0xb1: {  	_ =	task [dreg:s8], $0x5FFFF  }
0xb2: {  	[dreg:$0x1] =	wrdreg $0xFFFFFFFF  }
0xb3: {  	[dreg:$0x0] =	wrdreg $0x60  }
0xb4: {  	[dreg:$0x2] =	wrdreg s15  }
0xb5: {  	[dreg:$0x3] =	wrdreg s24  }
0xb6: {  	[dreg:$0x4] =	wrdreg s16  }
0xb7: {  	[dreg:$0x5] =	wrdreg $0x9  }
0xb8: {  	_ =	task.clear_ibuf [dreg:s8], $0x6FFFF;
	_ =	strace $0x90000046  }
0xb9: {  	s29 =	simm.s32 $0x9;
	_ =	strace $0x80000048  }
0xba: {  	_ =	swait.ge [sflag:s29], $0x1  }
0xbb: {  	[sflag:s29] =	ssyncadd.s32 $0xFFFFFFFF  }
0xbc: {  	_ =	strace $0x90000048  }
0xbd: {  	_ =	sfence  }
0xbe: {  	s30 =	sld [smem:$0x0];
	_ =	sdelay $0x2  }
0xbf: {  	s31 =	sshll.u32 s1, $0xD;
	s1 =	sshrl.u32 s1, $0x2  }
0xc0: {  	s3 =	sand.u32 $0x4000, s31;
	s1 =	sadd.s32 s1, s30  }
0xc1: {  	s0 =	sor.u32 s3, s0;
	s1 =	sshll.u32 s1, $0x11  }
0xc2: {  	s0 =	sor.u32 s1, s0  }
0xc3: {  	s0 =	sadd.s32 $0x8F2B, s0  }
0xc4: {  	[sflag:s0] =	ssyncadd.remote.s32 $0x1  }
0xc5: {  	_ =	sfence.sel $0xFFFF  }
0xc6: {  	[dreg:$0x0] =	wrdreg $0xFFFFFFFF;
	(pc) =	sbr.abs _section_cstart, $3  }
0xc7: {  	[dreg:$0x1] =	wrdreg $0xFFFFFFFF  }
0xc8: {  	_ =	task.clear_ibuf [dreg:s8], $0x2FFFF;
	_ =	strace $0x9FFFFFFF  }
0xc9: {  	(tm) =	ssettm $0x7FFFFFFF  }
tec
execute0_lowered:
.L_overlay_start_1:
0x0: {  	(tag) =	ssettag $0x1  }
0x1: {  	s1 =	srdreg.scid;
	s0 =	stileid.u32  }
0x2: {  	s5 =	rddreg [dreg:$0x0];
	s1 =	sand.u32 $0x1, s1;
	s2 =	sshll.u32 s0, $0x1  }
0x3: {  	s7 =	rddreg [dreg:$0x1];
	s4 =	sor.u32 s1, s2  }
0x4: {  	s15 =	simm.s32 $0x900;
	p1 =	seq.s32 s1, $0x1;
	p0 =	seq.s32 s4, $0x0  }
0x5: {  	s16 =	simm.s32 $0x1100;
	s17 =	simm.s32 $0x1900;
	p0 =	por !p0, !p1  }
0x6: {  	s19 =	simm.s32 $0x2100;
	s2 =	simm.s32 $0x1;
	p0 =	por !p0, !p0  }
0x7: {  	s20 =	simm.s32 $0x2900;
	s11 =	smul.u32 $0xC000, s4;
	s2 =	simm.s32 @!p0 $0x0  }
0x8: {  	s9 =	sshll.u32 s4, $0xA;
	s4 =	smul.u32 $0x1800, s4;
	s3 =	ssub.s32 s0, s2  }
0x9: {  	s2 =	rddreg [dreg:$0x2];
	s6 =	sshll.u32 s3, $0x7;
	s3 =	simm.s32 $0x0  }
0xa: {  	s12 =	sadd.s32 s9, s7;
	s4 =	sadd.s32 s5, s4;
	[smem:$0x7FF] =	sst s3  }
0xb: {  	s14 =	sadd.s32 $0x1E00, s12;
	_ =	strace $0x80000047;
	[dreg:$0x6] =	wrdreg s4  }
0xc: {  	s21 =	simm.s32 $0x3100;
	s22 =	simm.s32 $0x3900;
	[dreg:$0x8] =	wrdreg s14  }
0xd: {  	s23 =	simm.s32 $0x4100;
	s24 =	simm.s32 $0x4900;
	[dreg:$0x9] =	wrdreg s15  }
0xe: {  	s25 =	simm.s32 $0x5100;
	s26 =	simm.s32 $0x5900;
	[dreg:$0xa] =	wrdreg s16  }
0xf: {  	s28 =	simm.s32 $0x20;
	s29 =	simm.s32 $0x4;
	[dreg:$0xb] =	wrdreg s17  }
0x10: {  	s8 =	sshll.u32 s1, $0x6;
	s1 =	ssub.s32 $0x2, s1;
	[dreg:$0xc] =	wrdreg s19  }
0x11: {  	s30 =	simm.s32 $0xD100;
	s18 =	sshrl.u32 s1, $0x1;
	[dreg:$0xd] =	wrdreg s20  }
0x12: {  	s31 =	simm.s32 $0x5;
	s1 =	ssub.s32 s1, s18;
	[dreg:$0xe] =	wrdreg s21  }
0x13: {  	s9 =	simm.s32 $0x7;
	s18 =	simm.s32 $0x8100;
	[dreg:$0xf] =	wrdreg s22  }
0x14: {  	s12 =	simm.s32 $0x6100;
	s6 =	sor.u32 s8, s6;
	[dreg:$0x10] =	wrdreg s23  }
0x15: {  	s8 =	sshrl.u32 s11, $0x3;
	s11 =	simm.s32 $0x100;
	[dreg:$0x11] =	wrdreg s24  }
0x16: {  	s6 =	sshrl.u32 s6, $0x3;
	s5 =	sadd.s32 s5, s8;
	[dreg:$0x12] =	wrdreg s25  }
0x17: {  	s4 =	simm.s32 $0x1;
	s8 =	smax.u32 s1, $0x1;
	[dreg:$0x13] =	wrdreg s26  }
0x18: {  	s14 =	simm.s32 $0x2;
	s16 =	simm.s32 $0x7100;
	s17 =	simm.s32 $0x7900  }
0x19: {  	s19 =	simm.s32 $0x8900;
	s20 =	simm.s32 $0x9100;
	s21 =	simm.s32 $0x9900  }
0x1a: {  	s22 =	simm.s32 $0xA100;
	s23 =	simm.s32 $0xA900;
	s24 =	simm.s32 $0xB100  }
0x1b: {  	s25 =	simm.s32 $0xB900;
	s6 =	sadd.s32 s6, s7;
	s13 =	sadd.s32 $0xC00, s5  }
0x1c: {  	s26 =	simm.s32 $0x3;
	s10 =	sadd.s32 $0x9E00, s6;
	[dreg:$0x7] =	wrdreg s13  }
0x1d: {  	v2 =	vlaneseq.u32;
	s1 =	simm.s32 $0x6;
	s6 =	sadd.s32 $0x9E04, s6;
	[dreg:$0x4] =	wrdreg s10  }
0x1e: {  	vm0 =	vmmov $0xffff;
	v1 =	vshrl.u32 v2, $0x3;
	s5 =	sadd.s32 $0xA000, s7;
	s13 =	simm.s32 $0xC100;
	[dreg:$0x5] =	wrdreg s6  }
0x1f: {  	v0 =	vand.u32 $0x7, v2;
	v2 =	vor.u32 $0x8, v2;
	v1 =	vmul.u32 $0x8, v1;
	s6 =	sadd.s32 $0xA100, s7;
	s7 =	sadd.s32 $0xA200, s7;
	s10 =	simm.s32 $0x80  }
.LBB2_1:
0x20: {  	s0 =	rddreg [dreg:$0x4]  }
0x21: {  	[tilespmem:s3], [sflag:$0x7] =	stream.linear.gather [hbm4b:s0+s3], $0x20, $0x38;
	[tilespmem:$0xE100] =	vst v63  }
0x22: {  	_ =	swait.ge [sflag:s9], $0x20  }
0x23: {  	[sflag:s9] =	ssyncset.done $0x0  }
0x24: {  	s15 =	rddreg [dreg:$0x5];
	[sflag:s9] =	ssyncadd.s32 $0xFFFFFFE0  }
0x25: {  	[tilespmem:s10], [sflag:$0x7] =	stream.linear.gather [hbm4b:s15+s3], $0x20, $0x38;
	[tilespmem:$0xE100] =	vst v63  }
0x26: {  	_ =	swait.ge [sflag:s9], $0x20  }
0x27: {  	[sflag:s9] =	ssyncset.done $0x0  }
0x28: {  	s0 =	rddreg [dreg:$0x6];
	[sflag:s9] =	ssyncadd.s32 $0xFFFFFFE0  }
0x29: {  	[tilespmem:s11], [sflag:$0x1] =	stream.linear.gather [hbm4b:s0+s3], $0x6000, $0x38;
	[tilespmem:$0xE100] =	vst v63  }
0x2a: {  	s15 =	rddreg [dreg:$0x7]  }
0x2b: {  	[tilespmem:s12], [sflag:$0x2] =	stream.linear.gather [hbm4b:s15+s3], $0x6000, $0x38;
	[tilespmem:$0xE100] =	vst v63  }
0x2c: {  	s0 =	rddreg [dreg:$0x8]  }
0x2d: {  	[tilespmem:s13], [sflag:$0x3] =	stream.linear.gather [hbm4b:s0+s3], $0x2000, $0x38;
	[tilespmem:$0xE100] =	vst v63  }
0x2e: {  	_ =	swait.ge [sflag:s4], $0x6000  }
0x2f: {  	[sflag:s4] =	ssyncset.done $0x0  }
0x30: {  	[sflag:s4] =	ssyncadd.s32 $0xFFFFA000  }
0x31: {  	v3 =	vld [tilespmem:$0x0];
	_ =	sdelay $0x4  }
0x32: {  	v4 =	vshrl.u32 v3, $0x3  }
0x33: {  	v4 =	vmul.u32 $0x30, v4  }
0x34: {  	v3 =	vand.u32 $0x7, v3  }
0x35: {  	v3 =	vor.u32 v3, v4  }
0x36: {  	v4 =	vperm.xlane v3, v0;
	_ =	sdelay $0x1  }
0x37: {  	v4 =	vadd.s32 v1, v4;
	_ =	sdelay $0x3  }
0x38: {  	v3 =	vperm.xlane v3, v2  }
0x39: {  	[hbm4b:s5+s3] =	stream.indirect_vreg.scatter [tilespmem:s11], [sflag:$0x4], $0x80, v4, vm0, $0xb8;
	[tilespmem:$0xE100] =	vst v63  }
0x3a: {  	s0 =	rddreg [dreg:$0x9];
	v3 =	vadd.s32 v1, v3  }
0x3b: {  	[hbm4b:s6+s3] =	stream.indirect_vreg.scatter [tilespmem:s0], [sflag:$0x4], $0x80, v4, vm0, $0xb8;
	[tilespmem:$0xE100] =	vst v63  }
0x3c: {  	s15 =	rddreg [dreg:$0xa]  }
0x3d: {  	[hbm4b:s7+s3] =	stream.indirect_vreg.scatter [tilespmem:s15], [sflag:$0x4], $0x80, v4, vm0, $0xb8;
	[tilespmem:$0xE100] =	vst v63  }
0x3e: {  	s0 =	rddreg [dreg:$0xb]  }
0x3f: {  	[hbm4b:s5+s3] =	stream.indirect_vreg.scatter [tilespmem:s0], [sflag:$0x4], $0x80, v3, vm0, $0xb8;
	[tilespmem:$0xE100] =	vst v63  }
0x40: {  	s15 =	rddreg [dreg:$0xc]  }
0x41: {  	[hbm4b:s6+s3] =	stream.indirect_vreg.scatter [tilespmem:s15], [sflag:$0x4], $0x80, v3, vm0, $0xb8;
	[tilespmem:$0xE100] =	vst v63  }
0x42: {  	s0 =	rddreg [dreg:$0xd]  }
0x43: {  	[hbm4b:s7+s3] =	stream.indirect_vreg.scatter [tilespmem:s0], [sflag:$0x4], $0x80, v3, vm0, $0xb8;
	[tilespmem:$0xE100] =	vst v63  }
0x44: {  	v3 =	vld [tilespmem:$0x10];
	_ =	sdelay $0x4  }
0x45: {  	v61 =	vshrl.u32 v3, $0x3  }
0x46: {  	v4 =	vmul.u32 $0x30, v61  }
0x47: {  	v3 =	vand.u32 $0x7, v3  }
0x48: {  	v3 =	vor.u32 v3, v4  }
0x49: {  	v4 =	vperm.xlane v3, v0;
	_ =	sdelay $0x1  }
0x4a: {  	v4 =	vadd.s32 v1, v4;
	_ =	sdelay $0x3  }
0x4b: {  	s0 =	rddreg [dreg:$0xe];
	v3 =	vperm.xlane v3, v2  }
0x4c: {  	[hbm4b:s5+s3] =	stream.indirect_vreg.scatter [tilespmem:s0], [sflag:$0x4], $0x80, v4, vm0, $0xb8;
	[tilespmem:$0xE100] =	vst v63  }
0x4d: {  	s15 =	rddreg [dreg:$0xf];
	v3 =	vadd.s32 v1, v3  }
0x4e: {  	[hbm4b:s6+s3] =	stream.indirect_vreg.scatter [tilespmem:s15], [sflag:$0x4], $0x80, v4, vm0, $0xb8;
	[tilespmem:$0xE100] =	vst v63  }
0x4f: {  	s0 =	rddreg [dreg:$0x10]  }
0x50: {  	[hbm4b:s7+s3] =	stream.indirect_vreg.scatter [tilespmem:s0], [sflag:$0x4], $0x80, v4, vm0, $0xb8;
	[tilespmem:$0xE100] =	vst v63  }
0x51: {  	s15 =	rddreg [dreg:$0x11]  }
0x52: {  	[hbm4b:s5+s3] =	stream.indirect_vreg.scatter [tilespmem:s15], [sflag:$0x4], $0x80, v3, vm0, $0xb8;
	[tilespmem:$0xE100] =	vst v63  }
0x53: {  	s0 =	rddreg [dreg:$0x12]  }
0x54: {  	[hbm4b:s6+s3] =	stream.indirect_vreg.scatter [tilespmem:s0], [sflag:$0x4], $0x80, v3, vm0, $0xb8;
	[tilespmem:$0xE100] =	vst v63  }
0x55: {  	s15 =	rddreg [dreg:$0x13]  }
0x56: {  	[hbm4b:s7+s3] =	stream.indirect_vreg.scatter [tilespmem:s15], [sflag:$0x4], $0x80, v3, vm0, $0xb8;
	[tilespmem:$0xE100] =	vst v63  }
0x57: {  	_ =	swait.ge [sflag:s14], $0x6000  }
0x58: {  	[sflag:s14] =	ssyncset.done $0x0  }
0x59: {  	[sflag:s14] =	ssyncadd.s32 $0xFFFFA000  }
0x5a: {  	v3 =	vld [tilespmem:$0x80];
	_ =	sdelay $0x4  }
0x5b: {  	v62 =	vshrl.u32 v3, $0x3  }
0x5c: {  	v4 =	vmul.u32 $0x30, v62  }
0x5d: {  	v3 =	vand.u32 $0x7, v3  }
0x5e: {  	v3 =	vor.u32 v3, v4  }
0x5f: {  	v4 =	vperm.xlane v3, v0;
	_ =	sdelay $0x1  }
0x60: {  	v4 =	vadd.s32 v1, v4;
	_ =	sdelay $0x3  }
0x61: {  	v3 =	vperm.xlane v3, v2  }
0x62: {  	[hbm4b:s5+s3] =	stream.indirect_vreg.scatter [tilespmem:s12], [sflag:$0x5], $0x80, v4, vm0, $0xb8;
	[tilespmem:$0xE100] =	vst v63  }
0x63: {  	s15 =	simm.s32 $0x6900;
	v3 =	vadd.s32 v1, v3  }
0x64: {  	[hbm4b:s6+s3] =	stream.indirect_vreg.scatter [tilespmem:s15], [sflag:$0x5], $0x80, v4, vm0, $0xb8;
	[tilespmem:$0xE100] =	vst v63  }
0x65: {  	_ = 	snop  }
0x66: {  	[hbm4b:s7+s3] =	stream.indirect_vreg.scatter [tilespmem:s16], [sflag:$0x5], $0x80, v4, vm0, $0xb8;
	[tilespmem:$0xE100] =	vst v63  }
0x67: {  	_ = 	snop  }
0x68: {  	[hbm4b:s5+s3] =	stream.indirect_vreg.scatter [tilespmem:s17], [sflag:$0x5], $0x80, v3, vm0, $0xb8;
	[tilespmem:$0xE100] =	vst v63  }
0x69: {  	_ = 	snop  }
0x6a: {  	[hbm4b:s6+s3] =	stream.indirect_vreg.scatter [tilespmem:s18], [sflag:$0x5], $0x80, v3, vm0, $0xb8;
	[tilespmem:$0xE100] =	vst v63  }
0x6b: {  	_ = 	snop  }
0x6c: {  	[hbm4b:s7+s3] =	stream.indirect_vreg.scatter [tilespmem:s19], [sflag:$0x5], $0x80, v3, vm0, $0xb8;
	[tilespmem:$0xE100] =	vst v63  }
0x6d: {  	v3 =	vld [tilespmem:$0x90];
	_ =	sdelay $0x4  }
0x6e: {  	v63 =	vshrl.u32 v3, $0x3  }
0x6f: {  	v4 =	vmul.u32 $0x30, v63  }
0x70: {  	v3 =	vand.u32 $0x7, v3  }
0x71: {  	v3 =	vor.u32 v3, v4  }
0x72: {  	v4 =	vperm.xlane v3, v0;
	_ =	sdelay $0x1  }
0x73: {  	v4 =	vadd.s32 v1, v4;
	_ =	sdelay $0x3  }
0x74: {  	v3 =	vperm.xlane v3, v2  }
0x75: {  	[hbm4b:s5+s3] =	stream.indirect_vreg.scatter [tilespmem:s20], [sflag:$0x5], $0x80, v4, vm0, $0xb8;
	[tilespmem:$0xE100] =	vst v63  }
0x76: {  	v3 =	vadd.s32 v1, v3  }
0x77: {  	[hbm4b:s6+s3] =	stream.indirect_vreg.scatter [tilespmem:s21], [sflag:$0x5], $0x80, v4, vm0, $0xb8;
	[tilespmem:$0xE100] =	vst v63  }
0x78: {  	_ = 	snop  }
0x79: {  	[hbm4b:s7+s3] =	stream.indirect_vreg.scatter [tilespmem:s22], [sflag:$0x5], $0x80, v4, vm0, $0xb8;
	[tilespmem:$0xE100] =	vst v63  }
0x7a: {  	_ = 	snop  }
0x7b: {  	[hbm4b:s5+s3] =	stream.indirect_vreg.scatter [tilespmem:s23], [sflag:$0x5], $0x80, v3, vm0, $0xb8;
	[tilespmem:$0xE100] =	vst v63  }
0x7c: {  	_ = 	snop  }
0x7d: {  	[hbm4b:s6+s3] =	stream.indirect_vreg.scatter [tilespmem:s24], [sflag:$0x5], $0x80, v3, vm0, $0xb8;
	[tilespmem:$0xE100] =	vst v63  }
0x7e: {  	_ = 	snop  }
0x7f: {  	[hbm4b:s7+s3] =	stream.indirect_vreg.scatter [tilespmem:s25], [sflag:$0x5], $0x80, v3, vm0, $0xb8;
	[tilespmem:$0xE100] =	vst v63  }
0x80: {  	_ =	swait.ge [sflag:s26], $0x2000  }
0x81: {  	[sflag:s26] =	ssyncset.done $0x0  }
0x82: {  	[sflag:s26] =	ssyncadd.s32 $0xFFFFE000  }
0x83: {  	[hbm4b:s2+s28] =	stream.indirect.scatter [tilespmem:s13], [sflag:$0x6], $0x80, s3, s28, $0xb8;
	[tilespmem:$0xE100] =	vst v63  }
0x84: {  	_ =	swait.ge [sflag:s29], $0x6000  }
0x85: {  	[sflag:s29] =	ssyncset.done $0x0  }
0x86: {  	[sflag:s29] =	ssyncadd.s32 $0xFFFFA000  }
0x87: {  	[hbm4b:s2+s28] =	stream.indirect.scatter [tilespmem:s30], [sflag:$0x4], $0x80, s10, s28, $0xb8;
	[tilespmem:$0xE100] =	vst v63  }
0x88: {  	_ =	swait.ge [sflag:s31], $0x6000  }
0x89: {  	[sflag:s31] =	ssyncset.done $0x0  }
0x8a: {  	[sflag:s31] =	ssyncadd.s32 $0xFFFFA000  }
0x8b: {  	p0 =	sne.s32 s8, $0x1;
	_ =	swait.ge [sflag:s1], $0x1000  }
.Ltmp0:
0x8c: {  	[sflag:s1] =	ssyncset.done $0x0;
	(pc) =	sbr.rel @p0 .LBB2_1-.Ltmp0, $4  }
0x8d: {  	[sflag:s1] =	ssyncadd.s32 $0xFFFFF000  }
0x8e: {  	_ =	swait.ge [sflag:s29], $0x1000  }
0x8f: {  	[sflag:s29] =	ssyncset.done $0x0  }
0x90: {  	s8 =	sadd.s32 $0xFFFFFFFF, s8;
	[sflag:s29] =	ssyncadd.s32 $0xFFFFF000  }
0x91: {  	_ =	sfence.sel $0x180000  }
0x92: {  	[bflag:$0x0] =	sbarrier.arrive $0xFFFF  }
0x93: {  	_ =	strace $0x90000047  }
0x94: {  	s0 =	stileid.u32;
	[bflag:$0x2] =	sbarrier.arrive $0xFFFF  }
0x95: {  	p0 =	sne.s32 s0, $0x0;
	s0 =	rddreg [dreg:$0x3]  }
0x96: {  	s0 =	sadd.s32 @!p0 $0x100000, s0  }
0x97: {  	[sflag:s0] =	ssyncadd.tile.s32 @!p0 $0x1;
	_ =	shalt  }
.Lfunc_end2:
_tile_overlayer_lowered:
.L_overlay_start_2:
0x98: {  	(tag) =	ssettag $0x2  }
0x99: {  	s0 =	rddreg [dreg:$0x0];
	s2 =	stileid.u32  }
0x9a: {  	s1 =	rddreg [dreg:$0x1];
	p0 =	sne.s32 s2, $0x0  }
0x9b: {  	s3 =	rddreg [dreg:$0x2];
	[bflag:$0x3] =	sbarrier.arrive $0xFFFF;
	s2 =	simm.s32 @!p0 $0x1C07  }
0x9c: {  	[timem:s3], [sflag:s2] =	dma.local @!p0 [hbm:s0], s1  }
0x9d: {  	s0 =	simm.s32 @!p0 $0x7  }
0x9e: {  	_ =	swait.ge @!p0 [sflag:s0], s1  }
0x9f: {  	s1 =	ssub.s32 @!p0 $0x0, s1;
	[sflag:s0] =	ssyncset.done @!p0 $0x0  }
0xa0: {  	[sflag:s0] =	ssyncadd.s32 @!p0 s1  }
0xa1: {  	[bflag:$0x3] =	sbarrier.arrive $0xFFFF  }
0xa2: {  	_ =	shalt  }

// kernel: kernel.9.cloned.1.call-start
scs
__scs_entry_jumppad:
0x0: {  	(pc) =	sbr.rel $0x88, $3  }
0x1: {  	(tag) =	ssettag $0x0;
	lr =	simm.s32 $0x1  }
0x2: {  	[smem:$0x3F9B] =	sst lr;
	_ =	strace $0xD0000000  }
0x3: {  	_ = 	snop  }
0x4: {  	_ = 	snop  }
0x5: {  	_ = 	snop  }
0x6: {  	_ = 	snop  }
0x7: {  	_ = 	snop  }
__scs_overlays_trampoline_lowered:
0x8: {  	[smem:$0x3FAA] =	sst s0  }
0x9: {  	[smem:$0x3FAB] =	sst s1  }
0xa: {  	[smem:$0x3FAC] =	sst s2  }
0xb: {  	[smem:$0x3FAD] =	sst s3  }
0xc: {  	[smem:$0x3FAE] =	sst s4  }
0xd: {  	[smem:$0x3FAF] =	sst s5  }
0xe: {  	[smem:$0x3FB0] =	sst s6  }
0xf: {  	[smem:$0x3FB1] =	sst s7  }
0x10: {  	[smem:$0x3FB2] =	sst s8  }
0x11: {  	[smem:$0x3FB3] =	sst s9;
	s0 =	simm.s32 @!p0 $0x0  }
0x12: {  	s1 =	sld [smem:$0x3F99];
	s0 =	simm.s32 @p0 $0x1  }
0x13: {  	[smem:$0x3FB4] =	sst s0;
	s0 =	simm.s32 @!p1 $0x0  }
0x14: {  	s2 =	sld [smem:$0x3F98];
	s0 =	simm.s32 @p1 $0x1  }
0x15: {  	[smem:$0x3FB5] =	sst s0;
	s0 =	simm.s32 @!p2 $0x0  }
0x16: {  	s3 =	sld [smem:$0x3FDB];
	s0 =	simm.s32 @p2 $0x1  }
0x17: {  	s4 =	simm.s32 $0x1BF5;
	[smem:$0x3FB7] =	sst s0  }
0x18: {  	s0 =	sld [smem:$0x3F9A];
	_ =	swait.ge [sflag:s4], $0x0  }
0x19: {  	s7 =	sld [smem:$0x3F9B]  }
0x1a: {  	s8 =	sadd.s32 $0xFFFFE003, lr  }
0x1b: {  	s9 =	sadd.s32 $0xFFFFFEF7, lr;
	s5 =	simm.s32 $0xFFFFFFFF;
	p2 =	slt.u32 s8, $0xFFFFF086  }
0x1c: {  	p1 =	slt.u32 s9, $0xF7A;
	s5 =	simm.s32 @!p2 $0x0  }
0x1d: {  	s5 =	simm.s32 @p1 $0x1;
	p0 =	seq.s32 s7, s2  }
0x1e: {  	s7 =	smul.u32 @!p0 $0xF7A, s2;
	p2 =	seq.s32 @!p0 s5, $0x0  }
0x1f: {  	s9 =	smul.u32 $0xF7A, s1;
	s8 =	simm.s32 @!p0 $0x1BF5;
	p2 =	por !p2, p0  }
0x20: {  	[sflag:s8] =	ssyncset.s32 @!p0 $0xFFFFF086;
	s6 =	sadd.s32 @!p0 s3, s7;
	s7 =	simm.s32 @!p0 $0x108  }
0x21: {  	s3 =	sadd.s32 s3, s9;
	s6 =	sadd.s32 @!p0 $0x88, s6;
	s7 =	simm.s32 @p2 $0x1082  }
0x22: {  	[simem:s7], [sflag:s8] =	dma.local @!p0 [hbm:s6], $0xF7A  }
0x23: {  	s9 =	sor.u32 $0xD0000000, s2;
	s6 =	simm.s32 $0x108;
	_ =	swait.ge @!p0 [sflag:s8], $0x0  }
0x24: {  	s3 =	sadd.s32 $0x88, s3;
	s6 =	simm.s32 @!p1 $0x1082;
	[sflag:s4] =	ssyncset.s32 $0xFFFFF086  }
0x25: {  	[simem:s6], [sflag:s4] =	dma.local [hbm:s3], $0xF7A  }
0x26: {  	[smem:$0x3F9B] =	sst s1;
	(tag) =	ssettag s2;
	_ =	strace s9  }
0x27: {  	s1 =	sld [smem:$0x3FAB]  }
0x28: {  	s2 =	sld [smem:$0x3FAC]  }
0x29: {  	s4 =	sld [smem:$0x3FAE]  }
0x2a: {  	p0 =	seq.s32 s5, $0x0;
	s5 =	sld [smem:$0x3FAF]  }
0x2b: {  	s6 =	sld [smem:$0x3FB0]  }
0x2c: {  	s7 =	sld [smem:$0x3FB1]  }
0x2d: {  	s3 =	simm.s32 $0x108;
	s8 =	sld [smem:$0x3FB2]  }
0x2e: {  	s3 =	simm.s32 @!p0 $0x1082;
	s9 =	sld [smem:$0x3FB3]  }
0x2f: {  	lr =	sadd.s32 s0, s3;
	s0 =	sld [smem:$0x3FAA]  }
0x30: {  	s3 =	sld [smem:$0x3FAD]  }
0x31: {  	[smem:$0x3FB6] =	sst s10  }
0x32: {  	s10 =	sld [smem:$0x3FB4];
	_ =	sdelay $0x3  }
0x33: {  	p0 =	seq.s32 s10, $0x1;
	s10 =	sld [smem:$0x3FB6];
	_ =	sdelay $0x3  }
0x34: {  	[smem:$0x3FB6] =	sst s10  }
0x35: {  	s10 =	sld [smem:$0x3FB5];
	_ =	sdelay $0x3  }
0x36: {  	p1 =	seq.s32 s10, $0x1;
	s10 =	sld [smem:$0x3FB6];
	_ =	sdelay $0x3  }
0x37: {  	[smem:$0x3FB6] =	sst s10  }
0x38: {  	s10 =	sld [smem:$0x3FB7]  }
0x39: {  	_ = 	snop;
	(pc) =	sbr.ind lr, $3  }
0x3a: {  	_ = 	snop  }
0x3b: {  	_ = 	snop  }
0x3c: {  	p2 =	seq.s32 s10, $0x1;
	s10 =	sld [smem:$0x3FB6]  }
0x3d: {  	_ =	shalt  }
0x3e: {  	_ =	shalt  }
0x3f: {  	_ =	shalt  }
0x40: {  	_ =	shalt  }
0x41: {  	_ =	shalt  }
0x42: {  	_ =	shalt  }
0x43: {  	_ =	shalt  }
0x44: {  	_ =	shalt  }
0x45: {  	_ =	shalt  }
0x46: {  	_ =	shalt  }
0x47: {  	_ =	shalt  }
0x48: {  	_ =	shalt  }
0x49: {  	_ =	shalt  }
0x4a: {  	_ =	shalt  }
0x4b: {  	_ =	shalt  }
0x4c: {  	_ =	shalt  }
0x4d: {  	_ =	shalt  }
0x4e: {  	_ =	shalt  }
0x4f: {  	_ =	shalt  }
0x50: {  	_ =	shalt  }
0x51: {  	_ =	shalt  }
0x52: {  	_ =	shalt  }
0x53: {  	_ =	shalt  }
0x54: {  	_ =	shalt  }
0x55: {  	_ =	shalt  }
0x56: {  	_ =	shalt  }
0x57: {  	_ =	shalt  }
0x58: {  	_ =	shalt  }
0x59: {  	_ =	shalt  }
0x5a: {  	_ =	shalt  }
0x5b: {  	_ =	shalt  }
0x5c: {  	_ =	shalt  }
0x5d: {  	_ =	shalt  }
0x5e: {  	_ =	shalt  }
0x5f: {  	_ =	shalt  }
0x60: {  	_ =	shalt  }
0x61: {  	_ =	shalt  }
0x62: {  	_ =	shalt  }
0x63: {  	_ =	shalt  }
0x64: {  	_ =	shalt  }
0x65: {  	_ =	shalt  }
0x66: {  	_ =	shalt  }
0x67: {  	_ =	shalt  }
0x68: {  	_ =	shalt  }
0x69: {  	_ =	shalt  }
0x6a: {  	_ =	shalt  }
0x6b: {  	_ =	shalt  }
0x6c: {  	_ =	shalt  }
0x6d: {  	_ =	shalt  }
0x6e: {  	_ =	shalt  }
0x6f: {  	_ =	shalt  }
0x70: {  	_ =	shalt  }
0x71: {  	_ =	shalt  }
0x72: {  	_ =	shalt  }
0x73: {  	_ =	shalt  }
0x74: {  	_ =	shalt  }
0x75: {  	_ =	shalt  }
0x76: {  	_ =	shalt  }
0x77: {  	_ =	shalt  }
0x78: {  	_ =	shalt  }
0x79: {  	_ =	shalt  }
0x7a: {  	_ =	shalt  }
0x7b: {  	_ =	shalt  }
0x7c: {  	_ =	shalt  }
0x7d: {  	_ =	shalt  }
0x7e: {  	_ =	shalt  }
0x7f: {  	_ =	shalt  }
0x80: {  	_ =	shalt  }
0x81: {  	_ =	shalt  }
0x82: {  	_ =	shalt  }
0x83: {  	_ =	shalt  }
0x84: {  	_ =	shalt  }
0x85: {  	_ =	shalt  }
0x86: {  	_ =	shalt  }
0x87: {  	_ =	shalt  }
.Lfunc_end0:
.L_simem_size_0:
called_computation.1_lowered:
.L_overlay_start_0:
0x88: {  	s2 =	sld [smem:$0x3FD9]  }
0x89: {  	s3 =	sld [smem:$0x3FFE];
	_ =	sdelay $0x1  }
0x8a: {  	s1 =	srdreg.scid  }
0x8b: {  	s0 =	sand.u32 $0x1, s1  }
0x8c: {  	s14 =	sshll.u32 s0, $0xA;
	s2 =	sadd.s32 s3, s2  }
0x8d: {  	s2 =	sadd.s32 s2, s14  }
0x8e: {  	[smem:$0x3FC2] =	sst s2  }
0x8f: {  	_ = 	snop  }
0x90: {  	s2 =	sld [smem:$0x3FD0];
	_ =	sdelay $0x2  }
0x91: {  	s15 =	simm.s32 $0xA;
	s4 =	simm.s32 $0x10  }
0x92: {  	[smem:s4], [sflag:s15] =	dma.local [hbm:s2], $0x1  }
0x93: {  	_ =	swait.eq [sflag:s15], $0x1  }
0x94: {  	[sflag:s15] =	ssyncset.done $0x0  }
0x95: {  	[sflag:s15] =	ssyncadd.s32 $0xFFFFFFFF  }
0x96: {  	s16 =	sld [smem:$0x10];
	(tm) =	ssettm $0x1  }
0x97: {  	s17 =	sld [smem:$0x3FFB];
	_ =	sdelay $0x3  }
0x98: {  	_ =	strace s17  }
0x99: {  	s3 =	sld [smem:$0x3FFC];
	_ =	sdelay $0x3  }
0x9a: {  	_ =	strace s3  }
0x9b: {  	s3 =	sld [smem:$0x3FFD];
	_ =	sdelay $0x3  }
0x9c: {  	_ =	strace s3  }
0x9d: {  	_ =	strace $0x8FFFFFFF  }
0x9e: {  	s18 =	sld [smem:$0x3FDB];
	_ =	sdelay $0x1  }
0x9f: {  	s19 =	simm.s32 $_scs_section_size  }
0xa0: {  	s5 =	simm.s32 $_size__tile_overlayer_lowered;
	s6 =	simm.s32 $_tile_overlayer_lowered  }
0xa1: {  	s22 =	simm.s32 $0x1BFF;
	s21 =	sshll.u32 s6, $0x1;
	s3 =	sadd.s32 s19, s18  }
0xa2: {  	s7 =	simm.s32 $0x0;
	s20 =	sshll.u32 s5, $0x1;
	s5 =	sadd.s32 s21, s3  }
0xa3: {  	[timem:s7], [sflag:s22] =	dma.local [hbm:s5], s20  }
0xa4: {  	_ =	swait.ge [sflag:s22], s20  }
0xa5: {  	s4 =	ssub.s32 $0x0, s20;
	[sflag:s22] =	ssyncset.done $0x0  }
0xa6: {  	[sflag:s22] =	ssyncadd.s32 s4;
	_ =	sdelay $0x1  }
0xa7: {  	s23 =	simm.s32 $0x1B8B  }
0xa8: {  	_ =	swait.ge [sflag:s23], $0x1  }
0xa9: {  	[sflag:s23] =	ssyncset.done $0x0  }
0xaa: {  	s25 =	simm.s32 $0x1B8E;
	s24 =	sld [smem:$0x3FFE];
	[sflag:s23] =	ssyncadd.s32 $0xFFFFFFFF  }
0xab: {  	s26 =	simm.s32 $execute0_lowered;
	[smem:$0x3FD2] =	sst s25  }
0xac: {  	s5 =	sshll.u32 s26, $0x1;
	_ =	strace $0x80000049;
	[dreg:$0x1] =	wrdreg $0xFFFFFFFF  }
0xad: {  	s28 =	simm.s32 $_size_execute0_lowered;
	s3 =	sadd.s32 s3, s5;
	[dreg:$0x0] =	wrdreg $0x0  }
0xae: {  	s5 =	sshll.u32 s28, $0x1;
	[dreg:$0x2] =	wrdreg s3  }
0xaf: {  	[dreg:$0x3] =	wrdreg s5  }
0xb0: {  	[dreg:$0x4] =	wrdreg $0xC0  }
0xb1: {  	_ =	task [dreg:s7], $0x5FFFF  }
0xb2: {  	[dreg:$0x1] =	wrdreg $0xFFFFFFFF  }
0xb3: {  	[dreg:$0x0] =	wrdreg $0x60  }
0xb4: {  	[dreg:$0x2] =	wrdreg s24  }
0xb5: {  	[dreg:$0x3] =	wrdreg s16  }
0xb6: {  	[dreg:$0x4] =	wrdreg $0x9  }
0xb7: {  	_ =	task.clear_ibuf [dreg:s7], $0x5FFFF;
	_ =	strace $0x90000049  }
0xb8: {  	s29 =	simm.s32 $0x9;
	_ =	strace $0x8000004B  }
0xb9: {  	_ =	swait.ge [sflag:s29], $0x1  }
0xba: {  	[sflag:s29] =	ssyncadd.s32 $0xFFFFFFFF  }
0xbb: {  	_ =	strace $0x9000004B  }
0xbc: {  	_ =	sfence  }
0xbd: {  	s30 =	sld [smem:$0x0];
	_ =	sdelay $0x2  }
0xbe: {  	s31 =	sshll.u32 s1, $0xD;
	s1 =	sshrl.u32 s1, $0x2  }
0xbf: {  	s3 =	sand.u32 $0x4000, s31;
	s1 =	sadd.s32 s1, s30  }
0xc0: {  	s0 =	sor.u32 s3, s0;
	s1 =	sshll.u32 s1, $0x11  }
0xc1: {  	s0 =	sor.u32 s1, s0  }
0xc2: {  	s0 =	sadd.s32 $0x8F2B, s0  }
0xc3: {  	[sflag:s0] =	ssyncadd.remote.s32 $0x1  }
0xc4: {  	_ =	sfence.sel $0xFFFF  }
0xc5: {  	[dreg:$0x0] =	wrdreg $0xFFFFFFFF;
	(pc) =	sbr.abs _section_cstart, $3  }
0xc6: {  	[dreg:$0x1] =	wrdreg $0xFFFFFFFF  }
0xc7: {  	_ =	task.clear_ibuf [dreg:s7], $0x2FFFF;
	_ =	strace $0x9FFFFFFF  }
0xc8: {  	(tm) =	ssettm $0x7FFFFFFF  }
0xc9: {  	_ =	shalt  }
tec
execute0_lowered:
.L_overlay_start_1:
0x0: {  	(tag) =	ssettag $0x1  }
0x1: {  	s1 =	srdreg.scid  }
0x2: {  	s0 =	stileid.u32;
	s6 =	rddreg [dreg:$0x0]  }
0x3: {  	s7 =	rddreg [dreg:$0x1];
	s22 =	simm.s32 $0x80;
	s23 =	simm.s32 $0x900  }
0x4: {  	s24 =	simm.s32 $0x1100;
	s25 =	simm.s32 $0x1900;
	s26 =	simm.s32 $0x2100  }
0x5: {  	s11 =	simm.s32 $0x3100;
	s12 =	simm.s32 $0x3900;
	s13 =	simm.s32 $0x4100  }
0x6: {  	s14 =	simm.s32 $0x4900;
	s15 =	simm.s32 $0x5100;
	s16 =	simm.s32 $0x5900  }
0x7: {  	s17 =	simm.s32 $0x6100;
	s1 =	sand.u32 $0x1, s1;
	s2 =	sshll.u32 s0, $0x1  }
0x8: {  	s18 =	simm.s32 $0x6900;
	s19 =	simm.s32 $0x7100;
	s5 =	sor.u32 s1, s2  }
0x9: {  	s28 =	simm.s32 $0xB100;
	p1 =	seq.s32 s1, $0x1;
	p0 =	seq.s32 s5, $0x0  }
0xa: {  	s29 =	simm.s32 $0xB900;
	s2 =	simm.s32 $0x1;
	p0 =	por !p0, !p1  }
0xb: {  	s4 =	sshll.u32 s1, $0x6;
	s9 =	smul.u32 $0xC000, s5;
	p0 =	por !p0, !p0  }
0xc: {  	s1 =	ssub.s32 $0x2, s1;
	s5 =	smul.u32 $0x1800, s5;
	s2 =	simm.s32 @!p0 $0x0  }
0xd: {  	s9 =	sshrl.u32 s9, $0x3;
	s3 =	ssub.s32 s0, s2;
	s2 =	simm.s32 $0x0  }
0xe: {  	s5 =	sadd.s32 s7, s5;
	s7 =	sadd.s32 s7, s9;
	[smem:$0x7FF] =	sst s2  }
0xf: {  	s21 =	sadd.s32 $0xC00, s7;
	_ =	strace $0x8000004A;
	[dreg:$0x5] =	wrdreg s5  }
0x10: {  	s30 =	simm.s32 $0x2;
	s20 =	sshrl.u32 s1, $0x1;
	[dreg:$0x6] =	wrdreg s21  }
0x11: {  	s31 =	simm.s32 $0x3;
	s1 =	ssub.s32 s1, s20;
	[dreg:$0x7] =	wrdreg s22  }
0x12: {  	s20 =	simm.s32 $0x7900;
	s9 =	simm.s32 $0x100;
	[dreg:$0x8] =	wrdreg s23  }
0x13: {  	s7 =	smax.u32 s1, $0x1;
	s3 =	sshll.u32 s3, $0x7;
	[dreg:$0x9] =	wrdreg s24  }
0x14: {  	s1 =	simm.s32 $0x4;
	s4 =	sor.u32 s4, s3;
	[dreg:$0xa] =	wrdreg s25  }
0x15: {  	s3 =	sadd.s32 $0xA000, s6;
	s5 =	sadd.s32 $0xA100, s6;
	[dreg:$0xb] =	wrdreg s26  }
0x16: {  	s21 =	simm.s32 $0x8100;
	s22 =	simm.s32 $0x8900;
	s8 =	sshrl.u32 s4, $0x3  }
0x17: {  	s23 =	simm.s32 $0x9100;
	s24 =	simm.s32 $0x9900;
	s8 =	sadd.s32 s8, s6  }
0x18: {  	v2 =	vlaneseq.u32;
	s25 =	simm.s32 $0xA100;
	s26 =	simm.s32 $0xA900;
	s10 =	sadd.s32 $0x9E00, s8  }
0x19: {  	vm0 =	vmmov $0xffff;
	v1 =	vshrl.u32 v2, $0x3;
	s4 =	simm.s32 $0x1;
	s8 =	sadd.s32 $0x9E04, s8;
	[dreg:$0x3] =	wrdreg s10  }
0x1a: {  	v0 =	vand.u32 $0x7, v2;
	v2 =	vor.u32 $0x8, v2;
	v1 =	vmul.u32 $0x8, v1;
	s6 =	sadd.s32 $0xA200, s6;
	[dreg:$0x4] =	wrdreg s8;
	s8 =	simm.s32 $0x5  }
.LBB2_1:
0x1b: {  	s0 =	rddreg [dreg:$0x3]  }
0x1c: {  	[tilespmem:s2], [sflag:$0x5] =	stream.linear.gather [hbm4b:s0+s2], $0x20, $0x38;
	[tilespmem:$0xC100] =	vst v63  }
0x1d: {  	_ =	swait.ge [sflag:s8], $0x20  }
0x1e: {  	s0 =	rddreg [dreg:$0x4];
	[sflag:s8] =	ssyncset.done $0x0  }
0x1f: {  	s10 =	rddreg [dreg:$0x7];
	[sflag:s8] =	ssyncadd.s32 $0xFFFFFFE0  }
0x20: {  	[tilespmem:s10], [sflag:$0x5] =	stream.linear.gather [hbm4b:s0+s2], $0x20, $0x38;
	[tilespmem:$0xC100] =	vst v63  }
0x21: {  	_ =	swait.ge [sflag:s8], $0x20  }
0x22: {  	[sflag:s8] =	ssyncset.done $0x0  }
0x23: {  	[sflag:s8] =	ssyncadd.s32 $0xFFFFFFE0  }
0x24: {  	v3 =	vld [tilespmem:$0x0];
	_ =	sdelay $0x4  }
0x25: {  	v4 =	vshrl.u32 v3, $0x3  }
0x26: {  	v4 =	vmul.u32 $0x30, v4  }
0x27: {  	v3 =	vand.u32 $0x7, v3  }
0x28: {  	v3 =	vor.u32 v3, v4  }
0x29: {  	v4 =	vperm.xlane v3, v0;
	_ =	sdelay $0x1  }
0x2a: {  	v4 =	vadd.s32 v1, v4;
	_ =	sdelay $0x3  }
0x2b: {  	v3 =	vperm.xlane v3, v2  }
0x2c: {  	[tilespmem:s9], [sflag:$0x1] =	stream.indirect_vreg.gather [hbm4b:s3+s2], $0x80, v4, vm0, $0xb8;
	[tilespmem:$0xC100] =	vst v63  }
0x2d: {  	s0 =	rddreg [dreg:$0x8];
	v3 =	vadd.s32 v1, v3  }
0x2e: {  	[tilespmem:s0], [sflag:$0x1] =	stream.indirect_vreg.gather [hbm4b:s5+s2], $0x80, v4, vm0, $0xb8;
	[tilespmem:$0xC100] =	vst v63  }
0x2f: {  	s10 =	rddreg [dreg:$0x9]  }
0x30: {  	[tilespmem:s10], [sflag:$0x1] =	stream.indirect_vreg.gather [hbm4b:s6+s2], $0x80, v4, vm0, $0xb8;
	[tilespmem:$0xC100] =	vst v63  }
0x31: {  	s0 =	rddreg [dreg:$0xa]  }
0x32: {  	[tilespmem:s0], [sflag:$0x1] =	stream.indirect_vreg.gather [hbm4b:s3+s2], $0x80, v3, vm0, $0xb8;
	[tilespmem:$0xC100] =	vst v63  }
0x33: {  	s10 =	rddreg [dreg:$0xb]  }
0x34: {  	[tilespmem:s10], [sflag:$0x1] =	stream.indirect_vreg.gather [hbm4b:s5+s2], $0x80, v3, vm0, $0xb8;
	[tilespmem:$0xC100] =	vst v63  }
0x35: {  	s10 =	simm.s32 $0x2900  }
0x36: {  	[tilespmem:s10], [sflag:$0x1] =	stream.indirect_vreg.gather [hbm4b:s6+s2], $0x80, v3, vm0, $0xb8;
	[tilespmem:$0xC100] =	vst v63  }
0x37: {  	v3 =	vld [tilespmem:$0x10];
	_ =	sdelay $0x4  }
0x38: {  	v61 =	vshrl.u32 v3, $0x3  }
0x39: {  	v4 =	vmul.u32 $0x30, v61  }
0x3a: {  	v3 =	vand.u32 $0x7, v3  }
0x3b: {  	v3 =	vor.u32 v3, v4  }
0x3c: {  	v4 =	vperm.xlane v3, v0;
	_ =	sdelay $0x1  }
0x3d: {  	v4 =	vadd.s32 v1, v4;
	_ =	sdelay $0x3  }
0x3e: {  	v3 =	vperm.xlane v3, v2  }
0x3f: {  	[tilespmem:s11], [sflag:$0x1] =	stream.indirect_vreg.gather [hbm4b:s3+s2], $0x80, v4, vm0, $0xb8;
	[tilespmem:$0xC100] =	vst v63  }
0x40: {  	v3 =	vadd.s32 v1, v3  }
0x41: {  	[tilespmem:s12], [sflag:$0x1] =	stream.indirect_vreg.gather [hbm4b:s5+s2], $0x80, v4, vm0, $0xb8;
	[tilespmem:$0xC100] =	vst v63  }
0x42: {  	_ = 	snop  }
0x43: {  	[tilespmem:s13], [sflag:$0x1] =	stream.indirect_vreg.gather [hbm4b:s6+s2], $0x80, v4, vm0, $0xb8;
	[tilespmem:$0xC100] =	vst v63  }
0x44: {  	_ = 	snop  }
0x45: {  	[tilespmem:s14], [sflag:$0x1] =	stream.indirect_vreg.gather [hbm4b:s3+s2], $0x80, v3, vm0, $0xb8;
	[tilespmem:$0xC100] =	vst v63  }
0x46: {  	_ = 	snop  }
0x47: {  	[tilespmem:s15], [sflag:$0x1] =	stream.indirect_vreg.gather [hbm4b:s5+s2], $0x80, v3, vm0, $0xb8;
	[tilespmem:$0xC100] =	vst v63  }
0x48: {  	_ = 	snop  }
0x49: {  	[tilespmem:s16], [sflag:$0x1] =	stream.indirect_vreg.gather [hbm4b:s6+s2], $0x80, v3, vm0, $0xb8;
	[tilespmem:$0xC100] =	vst v63  }
0x4a: {  	v3 =	vld [tilespmem:$0x80];
	_ =	sdelay $0x4  }
0x4b: {  	v62 =	vshrl.u32 v3, $0x3  }
0x4c: {  	v4 =	vmul.u32 $0x30, v62  }
0x4d: {  	v3 =	vand.u32 $0x7, v3  }
0x4e: {  	v3 =	vor.u32 v3, v4  }
0x4f: {  	v4 =	vperm.xlane v3, v0;
	_ =	sdelay $0x1  }
0x50: {  	v4 =	vadd.s32 v1, v4;
	_ =	sdelay $0x3  }
0x51: {  	v3 =	vperm.xlane v3, v2  }
0x52: {  	[tilespmem:s17], [sflag:$0x2] =	stream.indirect_vreg.gather [hbm4b:s3+s2], $0x80, v4, vm0, $0xb8;
	[tilespmem:$0xC100] =	vst v63  }
0x53: {  	v3 =	vadd.s32 v1, v3  }
0x54: {  	[tilespmem:s18], [sflag:$0x2] =	stream.indirect_vreg.gather [hbm4b:s5+s2], $0x80, v4, vm0, $0xb8;
	[tilespmem:$0xC100] =	vst v63  }
0x55: {  	_ = 	snop  }
0x56: {  	[tilespmem:s19], [sflag:$0x2] =	stream.indirect_vreg.gather [hbm4b:s6+s2], $0x80, v4, vm0, $0xb8;
	[tilespmem:$0xC100] =	vst v63  }
0x57: {  	_ = 	snop  }
0x58: {  	[tilespmem:s20], [sflag:$0x2] =	stream.indirect_vreg.gather [hbm4b:s3+s2], $0x80, v3, vm0, $0xb8;
	[tilespmem:$0xC100] =	vst v63  }
0x59: {  	_ = 	snop  }
0x5a: {  	[tilespmem:s21], [sflag:$0x2] =	stream.indirect_vreg.gather [hbm4b:s5+s2], $0x80, v3, vm0, $0xb8;
	[tilespmem:$0xC100] =	vst v63  }
0x5b: {  	_ = 	snop  }
0x5c: {  	[tilespmem:s22], [sflag:$0x2] =	stream.indirect_vreg.gather [hbm4b:s6+s2], $0x80, v3, vm0, $0xb8;
	[tilespmem:$0xC100] =	vst v63  }
0x5d: {  	v3 =	vld [tilespmem:$0x90];
	_ =	sdelay $0x4  }
0x5e: {  	v63 =	vshrl.u32 v3, $0x3  }
0x5f: {  	v4 =	vmul.u32 $0x30, v63  }
0x60: {  	v3 =	vand.u32 $0x7, v3  }
0x61: {  	v3 =	vor.u32 v3, v4  }
0x62: {  	v4 =	vperm.xlane v3, v0;
	_ =	sdelay $0x1  }
0x63: {  	v4 =	vadd.s32 v1, v4;
	_ =	sdelay $0x3  }
0x64: {  	v3 =	vperm.xlane v3, v2  }
0x65: {  	[tilespmem:s23], [sflag:$0x2] =	stream.indirect_vreg.gather [hbm4b:s3+s2], $0x80, v4, vm0, $0xb8;
	[tilespmem:$0xC100] =	vst v63  }
0x66: {  	v3 =	vadd.s32 v1, v3  }
0x67: {  	[tilespmem:s24], [sflag:$0x2] =	stream.indirect_vreg.gather [hbm4b:s5+s2], $0x80, v4, vm0, $0xb8;
	[tilespmem:$0xC100] =	vst v63  }
0x68: {  	_ = 	snop  }
0x69: {  	[tilespmem:s25], [sflag:$0x2] =	stream.indirect_vreg.gather [hbm4b:s6+s2], $0x80, v4, vm0, $0xb8;
	[tilespmem:$0xC100] =	vst v63  }
0x6a: {  	_ = 	snop  }
0x6b: {  	[tilespmem:s26], [sflag:$0x2] =	stream.indirect_vreg.gather [hbm4b:s3+s2], $0x80, v3, vm0, $0xb8;
	[tilespmem:$0xC100] =	vst v63  }
0x6c: {  	_ = 	snop  }
0x6d: {  	[tilespmem:s28], [sflag:$0x2] =	stream.indirect_vreg.gather [hbm4b:s5+s2], $0x80, v3, vm0, $0xb8;
	[tilespmem:$0xC100] =	vst v63  }
0x6e: {  	_ = 	snop  }
0x6f: {  	[tilespmem:s29], [sflag:$0x2] =	stream.indirect_vreg.gather [hbm4b:s6+s2], $0x80, v3, vm0, $0xb8;
	[tilespmem:$0xC100] =	vst v63  }
0x70: {  	_ =	swait.ge [sflag:s4], $0x6000  }
0x71: {  	[sflag:s4] =	ssyncset.done $0x0  }
0x72: {  	s10 =	rddreg [dreg:$0x5];
	[sflag:s4] =	ssyncadd.s32 $0xFFFFA000  }
0x73: {  	[hbm4b:s10+s2] =	stream.linear.scatter [tilespmem:s9], [sflag:$0x3], $0x6000, $0x38;
	[tilespmem:$0xC100] =	vst v63  }
0x74: {  	_ =	swait.ge [sflag:s30], $0x6000  }
0x75: {  	[sflag:s30] =	ssyncset.done $0x0  }
0x76: {  	s10 =	rddreg [dreg:$0x6];
	[sflag:s30] =	ssyncadd.s32 $0xFFFFA000  }
0x77: {  	[hbm4b:s10+s2] =	stream.linear.scatter [tilespmem:s17], [sflag:$0x4], $0x6000, $0x38;
	[tilespmem:$0xC100] =	vst v63  }
0x78: {  	p0 =	sne.s32 s7, $0x1;
	_ =	swait.ge [sflag:s31], $0x6000  }
.Ltmp0:
0x79: {  	[sflag:s31] =	ssyncset.done $0x0;
	(pc) =	sbr.rel @p0 .LBB2_1-.Ltmp0, $4  }
0x7a: {  	[sflag:s31] =	ssyncadd.s32 $0xFFFFA000  }
0x7b: {  	_ =	swait.ge [sflag:s1], $0x6000  }
0x7c: {  	[sflag:s1] =	ssyncset.done $0x0  }
0x7d: {  	s7 =	sadd.s32 $0xFFFFFFFF, s7;
	[sflag:s1] =	ssyncadd.s32 $0xFFFFA000  }
0x7e: {  	_ =	sfence.sel $0x180000  }
0x7f: {  	[bflag:$0x0] =	sbarrier.arrive $0xFFFF  }
0x80: {  	_ =	strace $0x9000004A  }
0x81: {  	s0 =	stileid.u32;
	[bflag:$0x2] =	sbarrier.arrive $0xFFFF  }
0x82: {  	p0 =	sne.s32 s0, $0x0;
	s0 =	rddreg [dreg:$0x2]  }
0x83: {  	s0 =	sadd.s32 @!p0 $0x100000, s0  }
0x84: {  	[sflag:s0] =	ssyncadd.tile.s32 @!p0 $0x1;
	_ =	shalt  }
.Lfunc_end2:
_tile_overlayer_lowered:
.L_overlay_start_2:
0x85: {  	(tag) =	ssettag $0x2  }
0x86: {  	s0 =	rddreg [dreg:$0x0];
	s2 =	stileid.u32  }
0x87: {  	s1 =	rddreg [dreg:$0x1];
	p0 =	sne.s32 s2, $0x0  }
0x88: {  	s3 =	rddreg [dreg:$0x2];
	[bflag:$0x3] =	sbarrier.arrive $0xFFFF;
	s2 =	simm.s32 @!p0 $0x1C05  }
0x89: {  	[timem:s3], [sflag:s2] =	dma.local @!p0 [hbm:s0], s1  }
0x8a: {  	s0 =	simm.s32 @!p0 $0x5  }
0x8b: {  	_ =	swait.ge @!p0 [sflag:s0], s1  }
0x8c: {  	s1 =	ssub.s32 @!p0 $0x0, s1;
	[sflag:s0] =	ssyncset.done @!p0 $0x0  }
0x8d: {  	[sflag:s0] =	ssyncadd.s32 @!p0 s1  }
0x8e: {  	[bflag:$0x3] =	sbarrier.arrive $0xFFFF  }
0x8f: {  	_ =	shalt  }

</sc_bundles>
